<compile_context>
chip_gen: v7x
topology: tpu7x:2x2x1
jax: 0.10.2.dev20260603
libtpu: 0.0.44.dev20260713+nightly
codegen_flags: <defaults>
</compile_context>

<pallas_src>
import functools

import jax
import jax.numpy as jnp
from jax import lax
from jax.experimental import pallas as pl
from jax.experimental.pallas import tpu as pltpu
from jax.experimental.pallas import tpu_sc as plsc

_B, _T, _C = 16, 2048, 96
_BLANK = _C - 1
_TBLK = 1024
_L = 16
_NC, _NS = 2, 16


def _argmax_body(xt_ref, out_ref):
    for b in range(_B):
        x = xt_ref[b]
        m = jnp.max(x, axis=0, keepdims=True)
        cls = lax.broadcasted_iota(jnp.int32, x.shape, 0)
        out_ref[b, :] = jnp.min(jnp.where(x == m, cls, _C), axis=0)


def _tc_argmax(inputs):
    xt = jnp.transpose(inputs, (0, 2, 1))
    return pl.pallas_call(
        _argmax_body,
        grid=(_T // _TBLK,),
        in_specs=[pl.BlockSpec((_B, _C, _TBLK), lambda t: (0, 0, t))],
        out_specs=pl.BlockSpec((_B, _TBLK), lambda t: (0, t)),
        out_shape=jax.ShapeDtypeStruct((_B, _T), jnp.int32),
    )(xt)


_sc_mesh = plsc.VectorSubcoreMesh(
    core_axis_name="c", subcore_axis_name="s", num_cores=1
)


@functools.partial(
    pl.kernel,
    mesh=_sc_mesh,
    out_type=jax.ShapeDtypeStruct((_B, _T), jnp.int32),
    scratch_types=[
        pltpu.VMEM((_T,), jnp.int32),
        pltpu.VMEM((_T,), jnp.int32),
    ],
    compiler_params=pltpu.CompilerParams(
        needs_layout_passes=False,
        skip_device_barrier=True,
        disable_bounds_checks=True,
        disable_semaphore_checks=True,
    ),
)
def _sc_decode(preds_hbm, out_hbm, row_v, out_v):
    wid = lax.axis_index("s")

    @pl.when(wid < _B)
    def _():
        iota = lax.iota(jnp.int32, _L)
        blank_v = jnp.full((_L,), _BLANK, jnp.int32)

        pltpu.sync_copy(preds_hbm.at[wid], row_v)

        def step(i, carry):
            base = i * _L
            idx = base + iota
            v = row_v[pl.ds(base, _L)]
            p = plsc.load_gather(row_v, [jnp.maximum(idx - 1, 0)])
            keep = ((v != p) | (idx == 0)) & (v != _BLANK)
            ks = plsc.cumsum(keep.astype(jnp.int32))
            pos = jnp.maximum(carry + ks, 0)
            plsc.store_scatter(out_v, [pos], v, mask=keep)
            return carry + plsc.all_reduce_population_count(keep)

        carry = lax.fori_loop(
            0, _T // _L, step, jnp.full((_L,), -1, jnp.int32), unroll=8
        )

        cnt_vec = carry + 1
        cnt = carry[0] + 1

        def fill(j, c):
            idx = j * _L + iota
            plsc.store_scatter(out_v, [idx], blank_v, mask=idx >= cnt_vec)
            return c

        lax.fori_loop(cnt // _L, _T // _L, fill, 0)
        pltpu.sync_copy(out_v, out_hbm.at[wid])


def kernel(inputs):
    preds = _tc_argmax(inputs)
    out = _sc_decode(preds)
    return out.astype(jnp.int64)

# --- scband reference (transcript-rebuilt; emitter-appended) ---
"""Pipeline reference for scband-ctcdecode-32272384262201 (READ-ONLY COPY).

The authoritative reference and input builder live on the scoring server;
editing this copy changes nothing except your own understanding.
"""

import jax, jax.numpy as jnp
import numpy as np

BATCH_SIZE = 16
FRAME_SIZE = 2048
CHAR_COUNT = 96


def setup_inputs(seed: int = 0) -> dict:
    key = jax.random.key(seed)
    inputs = jax.random.normal(key, (BATCH_SIZE, FRAME_SIZE, CHAR_COUNT), dtype=jnp.float32)
    return {"inputs": inputs}


def reference(inputs):
    # CTC greedy decode: argmax per frame, collapse repeats, drop blanks,
    # left-compact into a dense [B, T] tensor padded with blank (= CHAR_COUNT - 1),
    # mirroring tf.nn.ctc_greedy_decoder + sparse.to_dense(default_value=CHAR_COUNT-1).
    B, T, C = inputs.shape
    blank = C - 1
    preds = jnp.argmax(inputs, axis=-1)  # [B, T] int
    prev = jnp.concatenate([jnp.full((B, 1), -1, dtype=preds.dtype), preds[:, :-1]], axis=1)
    keep = (preds != prev) & (preds != blank)  # collapse repeats, remove blanks
    pos = jnp.cumsum(keep.astype(jnp.int32), axis=1) - 1  # compacted target position

    def scatter_row(row_preds, row_keep, row_pos):
        idx = jnp.where(row_keep, row_pos, T)  # dropped tokens routed to slot T
        buf = jnp.full((T + 1,), blank, dtype=row_preds.dtype)
        buf = buf.at[idx].set(row_preds, mode='drop')
        return buf[:T]

    out = jax.vmap(scatter_row)(preds, keep, pos)
    return out.astype(jnp.int64)

if __name__ == "__main__":
    import jax
    _d = setup_inputs()
    print(jax.jit(kernel)(*tuple(_d.values())))

</pallas_src>

<mosaic_0001>
#map = affine_map<(d0, d1) -> (0, 0)>
module attributes {stable_mosaic.version = 14 : i64} {
  func.func @_sc_decode(%arg0: i32, %arg1: i32, %arg2: memref<16x2048xi32, #tpu.memory_space<hbm>>, %arg3: memref<16x2048xi32, #tpu.memory_space<hbm>>, %arg4: memref<2048xi32, #tpu.memory_space<vmem>>, %arg5: memref<2048xi32, #tpu.memory_space<vmem>>) attributes {dimension_semantics = [#tpu.dimension_semantics<core_parallel>, #tpu.dimension_semantics<subcore_parallel>], iteration_bounds = array<i64: 1, 16>, scalar_prefetch = 0 : i64, scratch_operands = 2 : i64, tpu.core_type = #tpu.core_type<sc_vector_subcore>, window_params = [{transform_indices = #map}, {transform_indices = #map}]} {
    %lt3A = arith.constant 16 : i32
    %lt3A_0 = arith.cmpi slt, %arg1, %lt3A : i32
    %convert_element_type3A = arith.extui %lt3A_0 : i1 to i32
    %cond3A = arith.constant 0 : i32
    %cond3A_1 = arith.cmpi ne, %convert_element_type3A, %cond3A : i32
    scf.if %cond3A_1 {
      %iota3A = tpu.iota {dimensions = array<i32: 0>} : vector<16xi32>
      %broadcast_in_dim3A = arith.constant 95 : i32
      %broadcast_in_dim3A_2 = vector.broadcast %broadcast_in_dim3A : i32 to vector<16xi32>
      "tpu.region"() ({
        %run_scoped3A = tpu.sem_alloc : memref<!tpu.dma_semaphore, #tpu.memory_space<semaphore_mem>>
        %dma_start3A = arith.constant 0 : i32
        %dma_start3A_39 = tpu.memref_slice %arg2[%arg1, %dma_start3A] : memref<16x2048xi32, #tpu.memory_space<hbm>> -> memref<1x2048xi32, #tpu.memory_space<hbm>>
        %dma_start3A_40 = tpu.memref_squeeze %dma_start3A_39 : memref<1x2048xi32, #tpu.memory_space<hbm>> -> memref<2048xi32, #tpu.memory_space<hbm>>
        %dma_start3A_41 = arith.constant 0 : i32
        %dma_start3A_42 = tpu.memref_slice %arg2[%arg1, %dma_start3A_41] : memref<16x2048xi32, #tpu.memory_space<hbm>> -> memref<1x2048xi32, #tpu.memory_space<hbm>>
        %dma_start3A_43 = tpu.memref_squeeze %dma_start3A_42 : memref<1x2048xi32, #tpu.memory_space<hbm>> -> memref<2048xi32, #tpu.memory_space<hbm>>
        tpu.enqueue_dma source(%dma_start3A_43 : memref<2048xi32, #tpu.memory_space<hbm>>) target(%arg4 : memref<2048xi32, #tpu.memory_space<vmem>>) target_semaphore(%run_scoped3A : memref<!tpu.dma_semaphore, #tpu.memory_space<semaphore_mem>>)
        %dma_wait3A = arith.constant 0 : i32
        %dma_wait3A_44 = tpu.memref_slice %arg2[%arg1, %dma_wait3A] : memref<16x2048xi32, #tpu.memory_space<hbm>> -> memref<1x2048xi32, #tpu.memory_space<hbm>>
        %dma_wait3A_45 = tpu.memref_squeeze %dma_wait3A_44 : memref<1x2048xi32, #tpu.memory_space<hbm>> -> memref<2048xi32, #tpu.memory_space<hbm>>
        %dma_wait3A_46 = arith.constant 0 : i32
        %dma_wait3A_47 = tpu.memref_slice %arg2[%arg1, %dma_wait3A_46] : memref<16x2048xi32, #tpu.memory_space<hbm>> -> memref<1x2048xi32, #tpu.memory_space<hbm>>
        %dma_wait3A_48 = tpu.memref_squeeze %dma_wait3A_47 : memref<1x2048xi32, #tpu.memory_space<hbm>> -> memref<2048xi32, #tpu.memory_space<hbm>>
        tpu.wait_dma2 semaphore(%run_scoped3A : memref<!tpu.dma_semaphore, #tpu.memory_space<semaphore_mem>>) src(%dma_wait3A_48 : memref<2048xi32, #tpu.memory_space<hbm>>) dst(%arg4 : memref<2048xi32, #tpu.memory_space<vmem>>)
        tpu.yield
      }) : () -> ()
      %broadcast_in_dim3A_3 = arith.constant -1 : i32
      %broadcast_in_dim3A_4 = vector.broadcast %broadcast_in_dim3A_3 : i32 to vector<16xi32>
      %scan3A = arith.constant 0 : i32
      %scan3A_5 = arith.constant 128 : i32
      %scan3A_6 = arith.addi %scan3A, %scan3A_5 : i32
      %scan3A_7 = arith.constant 8 : i32
      %scan3A_8 = scf.for %scan3A_39 = %scan3A to %scan3A_6 step %scan3A_7 iter_args(%scan3A_40 = %broadcast_in_dim3A_4) -> (vector<16xi32>)  : i32 {
        %mul3A = arith.constant 16 : i32
        %mul3A_41 = arith.muli %scan3A_39, %mul3A : i32
        %add3A_42 = vector.broadcast %mul3A_41 : i32 to vector<16xi32>
        %add3A_43 = arith.addi %add3A_42, %iota3A : vector<16xi32>
        %get3A = arith.index_cast %mul3A_41 : i32 to index
        %get3A_44 = tpu.vector_load %arg4[%get3A] {strides = array<i32>} : memref<2048xi32, #tpu.memory_space<vmem>>, vector<16xi32>,
        %sub3A_45 = arith.constant 1 : i32
        %sub3A_46 = vector.broadcast %sub3A_45 : i32 to vector<16xi32>
        %sub3A_47 = arith.subi %add3A_43, %sub3A_46 : vector<16xi32>
        %max3A = arith.constant 0 : i32
        %max3A_48 = vector.broadcast %max3A : i32 to vector<16xi32>
        %max3A_49 = arith.maxsi %sub3A_47, %max3A_48 : vector<16xi32>
        %gather3A = tpu.vector_load_idx %arg4[%max3A_49] : memref<2048xi32, #tpu.memory_space<vmem>>[vector<16xi32>], vector<16xi32>,
        %ne3A_50 = arith.cmpi ne, %get3A_44, %gather3A : vector<16xi32>
        %eq3A = arith.constant 0 : i32
        %eq3A_51 = vector.broadcast %eq3A : i32 to vector<16xi32>
        %eq3A_52 = arith.cmpi eq, %add3A_43, %eq3A_51 : vector<16xi32>
        %or3A = arith.ori %ne3A_50, %eq3A_52 : vector<16xi1>
        %ne3A_53 = arith.constant 95 : i32
        %ne3A_54 = vector.broadcast %ne3A_53 : i32 to vector<16xi32>
        %ne3A_55 = arith.cmpi ne, %get3A_44, %ne3A_54 : vector<16xi32>
        %and3A_56 = arith.andi %or3A, %ne3A_55 : vector<16xi1>
        %convert_element_type3A_57 = arith.extui %and3A_56 : vector<16xi1> to vector<16xi32>
        %broadcast_in_dim3A_58 = arith.constant true
        %broadcast_in_dim3A_59 = vector.broadcast %broadcast_in_dim3A_58 : i1 to vector<16xi1>
        %masked_cumsum3A = tpu.scan <sum>, %convert_element_type3A_57 masked %broadcast_in_dim3A_59 : vector<16xi32>, vector<16xi1> -> vector<16xi32>
        %add3A_60 = arith.addi %scan3A_40, %masked_cumsum3A : vector<16xi32>
        %max3A_61 = arith.constant 0 : i32
        %max3A_62 = vector.broadcast %max3A_61 : i32 to vector<16xi32>
        %max3A_63 = arith.maxsi %add3A_60, %max3A_62 : vector<16xi32>
        tpu.vector_store_idx %arg5[%max3A_63], %get3A_44 masked %and3A_56 : memref<2048xi32, #tpu.memory_space<vmem>>[vector<16xi32>], vector<16xi32>, vector<16xi1>
        %all_reduce_population_count3A = tpu.all_reduce %and3A_56 {dim = 0 : i64, kind = #tpu.reduction_kind<sum>} : vector<16xi1> -> vector<16xi32>
        %add3A_64 = arith.addi %scan3A_40, %all_reduce_population_count3A : vector<16xi32>
        %scan3A_65 = arith.constant 1 : i32
        %scan3A_66 = arith.addi %scan3A_39, %scan3A_65 : i32
        %mul3A_67 = arith.constant 16 : i32
        %mul3A_68 = arith.muli %scan3A_66, %mul3A_67 : i32
        %add3A_69 = vector.broadcast %mul3A_68 : i32 to vector<16xi32>
        %add3A_70 = arith.addi %add3A_69, %iota3A : vector<16xi32>
        %get3A_71 = arith.index_cast %mul3A_68 : i32 to index
        %get3A_72 = tpu.vector_load %arg4[%get3A_71] {strides = array<i32>} : memref<2048xi32, #tpu.memory_space<vmem>>, vector<16xi32>,
        %sub3A_73 = arith.constant 1 : i32
        %sub3A_74 = vector.broadcast %sub3A_73 : i32 to vector<16xi32>
        %sub3A_75 = arith.subi %add3A_70, %sub3A_74 : vector<16xi32>
        %max3A_76 = arith.constant 0 : i32
        %max3A_77 = vector.broadcast %max3A_76 : i32 to vector<16xi32>
        %max3A_78 = arith.maxsi %sub3A_75, %max3A_77 : vector<16xi32>
        %gather3A_79 = tpu.vector_load_idx %arg4[%max3A_78] : memref<2048xi32, #tpu.memory_space<vmem>>[vector<16xi32>], vector<16xi32>,
        %ne3A_80 = arith.cmpi ne, %get3A_72, %gather3A_79 : vector<16xi32>
        %eq3A_81 = arith.constant 0 : i32
        %eq3A_82 = vector.broadcast %eq3A_81 : i32 to vector<16xi32>
        %eq3A_83 = arith.cmpi eq, %add3A_70, %eq3A_82 : vector<16xi32>
        %or3A_84 = arith.ori %ne3A_80, %eq3A_83 : vector<16xi1>
        %ne3A_85 = arith.constant 95 : i32
        %ne3A_86 = vector.broadcast %ne3A_85 : i32 to vector<16xi32>
        %ne3A_87 = arith.cmpi ne, %get3A_72, %ne3A_86 : vector<16xi32>
        %and3A_88 = arith.andi %or3A_84, %ne3A_87 : vector<16xi1>
        %convert_element_type3A_89 = arith.extui %and3A_88 : vector<16xi1> to vector<16xi32>
        %broadcast_in_dim3A_90 = arith.constant true
        %broadcast_in_dim3A_91 = vector.broadcast %broadcast_in_dim3A_90 : i1 to vector<16xi1>
        %masked_cumsum3A_92 = tpu.scan <sum>, %convert_element_type3A_89 masked %broadcast_in_dim3A_91 : vector<16xi32>, vector<16xi1> -> vector<16xi32>
        %add3A_93 = arith.addi %add3A_64, %masked_cumsum3A_92 : vector<16xi32>
        %max3A_94 = arith.constant 0 : i32
        %max3A_95 = vector.broadcast %max3A_94 : i32 to vector<16xi32>
        %max3A_96 = arith.maxsi %add3A_93, %max3A_95 : vector<16xi32>
        tpu.vector_store_idx %arg5[%max3A_96], %get3A_72 masked %and3A_88 : memref<2048xi32, #tpu.memory_space<vmem>>[vector<16xi32>], vector<16xi32>, vector<16xi1>
        %all_reduce_population_count3A_97 = tpu.all_reduce %and3A_88 {dim = 0 : i64, kind = #tpu.reduction_kind<sum>} : vector<16xi1> -> vector<16xi32>
        %add3A_98 = arith.addi %add3A_64, %all_reduce_population_count3A_97 : vector<16xi32>
        %scan3A_99 = arith.constant 2 : i32
        %scan3A_100 = arith.addi %scan3A_39, %scan3A_99 : i32
        %mul3A_101 = arith.constant 16 : i32
        %mul3A_102 = arith.muli %scan3A_100, %mul3A_101 : i32
        %add3A_103 = vector.broadcast %mul3A_102 : i32 to vector<16xi32>
        %add3A_104 = arith.addi %add3A_103, %iota3A : vector<16xi32>
        %get3A_105 = arith.index_cast %mul3A_102 : i32 to index
        %get3A_106 = tpu.vector_load %arg4[%get3A_105] {strides = array<i32>} : memref<2048xi32, #tpu.memory_space<vmem>>, vector<16xi32>,
        %sub3A_107 = arith.constant 1 : i32
        %sub3A_108 = vector.broadcast %sub3A_107 : i32 to vector<16xi32>
        %sub3A_109 = arith.subi %add3A_104, %sub3A_108 : vector<16xi32>
        %max3A_110 = arith.constant 0 : i32
        %max3A_111 = vector.broadcast %max3A_110 : i32 to vector<16xi32>
        %max3A_112 = arith.maxsi %sub3A_109, %max3A_111 : vector<16xi32>
        %gather3A_113 = tpu.vector_load_idx %arg4[%max3A_112] : memref<2048xi32, #tpu.memory_space<vmem>>[vector<16xi32>], vector<16xi32>,
        %ne3A_114 = arith.cmpi ne, %get3A_106, %gather3A_113 : vector<16xi32>
        %eq3A_115 = arith.constant 0 : i32
        %eq3A_116 = vector.broadcast %eq3A_115 : i32 to vector<16xi32>
        %eq3A_117 = arith.cmpi eq, %add3A_104, %eq3A_116 : vector<16xi32>
        %or3A_118 = arith.ori %ne3A_114, %eq3A_117 : vector<16xi1>
        %ne3A_119 = arith.constant 95 : i32
        %ne3A_120 = vector.broadcast %ne3A_119 : i32 to vector<16xi32>
        %ne3A_121 = arith.cmpi ne, %get3A_106, %ne3A_120 : vector<16xi32>
        %and3A_122 = arith.andi %or3A_118, %ne3A_121 : vector<16xi1>
        %convert_element_type3A_123 = arith.extui %and3A_122 : vector<16xi1> to vector<16xi32>
        %broadcast_in_dim3A_124 = arith.constant true
        %broadcast_in_dim3A_125 = vector.broadcast %broadcast_in_dim3A_124 : i1 to vector<16xi1>
        %masked_cumsum3A_126 = tpu.scan <sum>, %convert_element_type3A_123 masked %broadcast_in_dim3A_125 : vector<16xi32>, vector<16xi1> -> vector<16xi32>
        %add3A_127 = arith.addi %add3A_98, %masked_cumsum3A_126 : vector<16xi32>
        %max3A_128 = arith.constant 0 : i32
        %max3A_129 = vector.broadcast %max3A_128 : i32 to vector<16xi32>
        %max3A_130 = arith.maxsi %add3A_127, %max3A_129 : vector<16xi32>
        tpu.vector_store_idx %arg5[%max3A_130], %get3A_106 masked %and3A_122 : memref<2048xi32, #tpu.memory_space<vmem>>[vector<16xi32>], vector<16xi32>, vector<16xi1>
        %all_reduce_population_count3A_131 = tpu.all_reduce %and3A_122 {dim = 0 : i64, kind = #tpu.reduction_kind<sum>} : vector<16xi1> -> vector<16xi32>
        %add3A_132 = arith.addi %add3A_98, %all_reduce_population_count3A_131 : vector<16xi32>
        %scan3A_133 = arith.constant 3 : i32
        %scan3A_134 = arith.addi %scan3A_39, %scan3A_133 : i32
        %mul3A_135 = arith.constant 16 : i32
        %mul3A_136 = arith.muli %scan3A_134, %mul3A_135 : i32
        %add3A_137 = vector.broadcast %mul3A_136 : i32 to vector<16xi32>
        %add3A_138 = arith.addi %add3A_137, %iota3A : vector<16xi32>
        %get3A_139 = arith.index_cast %mul3A_136 : i32 to index
        %get3A_140 = tpu.vector_load %arg4[%get3A_139] {strides = array<i32>} : memref<2048xi32, #tpu.memory_space<vmem>>, vector<16xi32>,
        %sub3A_141 = arith.constant 1 : i32
        %sub3A_142 = vector.broadcast %sub3A_141 : i32 to vector<16xi32>
        %sub3A_143 = arith.subi %add3A_138, %sub3A_142 : vector<16xi32>
        %max3A_144 = arith.constant 0 : i32
        %max3A_145 = vector.broadcast %max3A_144 : i32 to vector<16xi32>
        %max3A_146 = arith.maxsi %sub3A_143, %max3A_145 : vector<16xi32>
        %gather3A_147 = tpu.vector_load_idx %arg4[%max3A_146] : memref<2048xi32, #tpu.memory_space<vmem>>[vector<16xi32>], vector<16xi32>,
        %ne3A_148 = arith.cmpi ne, %get3A_140, %gather3A_147 : vector<16xi32>
        %eq3A_149 = arith.constant 0 : i32
        %eq3A_150 = vector.broadcast %eq3A_149 : i32 to vector<16xi32>
        %eq3A_151 = arith.cmpi eq, %add3A_138, %eq3A_150 : vector<16xi32>
        %or3A_152 = arith.ori %ne3A_148, %eq3A_151 : vector<16xi1>
        %ne3A_153 = arith.constant 95 : i32
        %ne3A_154 = vector.broadcast %ne3A_153 : i32 to vector<16xi32>
        %ne3A_155 = arith.cmpi ne, %get3A_140, %ne3A_154 : vector<16xi32>
        %and3A_156 = arith.andi %or3A_152, %ne3A_155 : vector<16xi1>
        %convert_element_type3A_157 = arith.extui %and3A_156 : vector<16xi1> to vector<16xi32>
        %broadcast_in_dim3A_158 = arith.constant true
        %broadcast_in_dim3A_159 = vector.broadcast %broadcast_in_dim3A_158 : i1 to vector<16xi1>
        %masked_cumsum3A_160 = tpu.scan <sum>, %convert_element_type3A_157 masked %broadcast_in_dim3A_159 : vector<16xi32>, vector<16xi1> -> vector<16xi32>
        %add3A_161 = arith.addi %add3A_132, %masked_cumsum3A_160 : vector<16xi32>
        %max3A_162 = arith.constant 0 : i32
        %max3A_163 = vector.broadcast %max3A_162 : i32 to vector<16xi32>
        %max3A_164 = arith.maxsi %add3A_161, %max3A_163 : vector<16xi32>
        tpu.vector_store_idx %arg5[%max3A_164], %get3A_140 masked %and3A_156 : memref<2048xi32, #tpu.memory_space<vmem>>[vector<16xi32>], vector<16xi32>, vector<16xi1>
        %all_reduce_population_count3A_165 = tpu.all_reduce %and3A_156 {dim = 0 : i64, kind = #tpu.reduction_kind<sum>} : vector<16xi1> -> vector<16xi32>
        %add3A_166 = arith.addi %add3A_132, %all_reduce_population_count3A_165 : vector<16xi32>
        %scan3A_167 = arith.constant 4 : i32
        %scan3A_168 = arith.addi %scan3A_39, %scan3A_167 : i32
        %mul3A_169 = arith.constant 16 : i32
        %mul3A_170 = arith.muli %scan3A_168, %mul3A_169 : i32
        %add3A_171 = vector.broadcast %mul3A_170 : i32 to vector<16xi32>
        %add3A_172 = arith.addi %add3A_171, %iota3A : vector<16xi32>
        %get3A_173 = arith.index_cast %mul3A_170 : i32 to index
        %get3A_174 = tpu.vector_load %arg4[%get3A_173] {strides = array<i32>} : memref<2048xi32, #tpu.memory_space<vmem>>, vector<16xi32>,
        %sub3A_175 = arith.constant 1 : i32
        %sub3A_176 = vector.broadcast %sub3A_175 : i32 to vector<16xi32>
        %sub3A_177 = arith.subi %add3A_172, %sub3A_176 : vector<16xi32>
        %max3A_178 = arith.constant 0 : i32
        %max3A_179 = vector.broadcast %max3A_178 : i32 to vector<16xi32>
        %max3A_180 = arith.maxsi %sub3A_177, %max3A_179 : vector<16xi32>
        %gather3A_181 = tpu.vector_load_idx %arg4[%max3A_180] : memref<2048xi32, #tpu.memory_space<vmem>>[vector<16xi32>], vector<16xi32>,
        %ne3A_182 = arith.cmpi ne, %get3A_174, %gather3A_181 : vector<16xi32>
        %eq3A_183 = arith.constant 0 : i32
        %eq3A_184 = vector.broadcast %eq3A_183 : i32 to vector<16xi32>
        %eq3A_185 = arith.cmpi eq, %add3A_172, %eq3A_184 : vector<16xi32>
        %or3A_186 = arith.ori %ne3A_182, %eq3A_185 : vector<16xi1>
        %ne3A_187 = arith.constant 95 : i32
        %ne3A_188 = vector.broadcast %ne3A_187 : i32 to vector<16xi32>
        %ne3A_189 = arith.cmpi ne, %get3A_174, %ne3A_188 : vector<16xi32>
        %and3A_190 = arith.andi %or3A_186, %ne3A_189 : vector<16xi1>
        %convert_element_type3A_191 = arith.extui %and3A_190 : vector<16xi1> to vector<16xi32>
        %broadcast_in_dim3A_192 = arith.constant true
        %broadcast_in_dim3A_193 = vector.broadcast %broadcast_in_dim3A_192 : i1 to vector<16xi1>
        %masked_cumsum3A_194 = tpu.scan <sum>, %convert_element_type3A_191 masked %broadcast_in_dim3A_193 : vector<16xi32>, vector<16xi1> -> vector<16xi32>
        %add3A_195 = arith.addi %add3A_166, %masked_cumsum3A_194 : vector<16xi32>
        %max3A_196 = arith.constant 0 : i32
        %max3A_197 = vector.broadcast %max3A_196 : i32 to vector<16xi32>
        %max3A_198 = arith.maxsi %add3A_195, %max3A_197 : vector<16xi32>
        tpu.vector_store_idx %arg5[%max3A_198], %get3A_174 masked %and3A_190 : memref<2048xi32, #tpu.memory_space<vmem>>[vector<16xi32>], vector<16xi32>, vector<16xi1>
        %all_reduce_population_count3A_199 = tpu.all_reduce %and3A_190 {dim = 0 : i64, kind = #tpu.reduction_kind<sum>} : vector<16xi1> -> vector<16xi32>
        %add3A_200 = arith.addi %add3A_166, %all_reduce_population_count3A_199 : vector<16xi32>
        %scan3A_201 = arith.constant 5 : i32
        %scan3A_202 = arith.addi %scan3A_39, %scan3A_201 : i32
        %mul3A_203 = arith.constant 16 : i32
        %mul3A_204 = arith.muli %scan3A_202, %mul3A_203 : i32
        %add3A_205 = vector.broadcast %mul3A_204 : i32 to vector<16xi32>
        %add3A_206 = arith.addi %add3A_205, %iota3A : vector<16xi32>
        %get3A_207 = arith.index_cast %mul3A_204 : i32 to index
        %get3A_208 = tpu.vector_load %arg4[%get3A_207] {strides = array<i32>} : memref<2048xi32, #tpu.memory_space<vmem>>, vector<16xi32>,
        %sub3A_209 = arith.constant 1 : i32
        %sub3A_210 = vector.broadcast %sub3A_209 : i32 to vector<16xi32>
        %sub3A_211 = arith.subi %add3A_206, %sub3A_210 : vector<16xi32>
        %max3A_212 = arith.constant 0 : i32
        %max3A_213 = vector.broadcast %max3A_212 : i32 to vector<16xi32>
        %max3A_214 = arith.maxsi %sub3A_211, %max3A_213 : vector<16xi32>
        %gather3A_215 = tpu.vector_load_idx %arg4[%max3A_214] : memref<2048xi32, #tpu.memory_space<vmem>>[vector<16xi32>], vector<16xi32>,
        %ne3A_216 = arith.cmpi ne, %get3A_208, %gather3A_215 : vector<16xi32>
        %eq3A_217 = arith.constant 0 : i32
        %eq3A_218 = vector.broadcast %eq3A_217 : i32 to vector<16xi32>
        %eq3A_219 = arith.cmpi eq, %add3A_206, %eq3A_218 : vector<16xi32>
        %or3A_220 = arith.ori %ne3A_216, %eq3A_219 : vector<16xi1>
        %ne3A_221 = arith.constant 95 : i32
        %ne3A_222 = vector.broadcast %ne3A_221 : i32 to vector<16xi32>
        %ne3A_223 = arith.cmpi ne, %get3A_208, %ne3A_222 : vector<16xi32>
        %and3A_224 = arith.andi %or3A_220, %ne3A_223 : vector<16xi1>
        %convert_element_type3A_225 = arith.extui %and3A_224 : vector<16xi1> to vector<16xi32>
        %broadcast_in_dim3A_226 = arith.constant true
        %broadcast_in_dim3A_227 = vector.broadcast %broadcast_in_dim3A_226 : i1 to vector<16xi1>
        %masked_cumsum3A_228 = tpu.scan <sum>, %convert_element_type3A_225 masked %broadcast_in_dim3A_227 : vector<16xi32>, vector<16xi1> -> vector<16xi32>
        %add3A_229 = arith.addi %add3A_200, %masked_cumsum3A_228 : vector<16xi32>
        %max3A_230 = arith.constant 0 : i32
        %max3A_231 = vector.broadcast %max3A_230 : i32 to vector<16xi32>
        %max3A_232 = arith.maxsi %add3A_229, %max3A_231 : vector<16xi32>
        tpu.vector_store_idx %arg5[%max3A_232], %get3A_208 masked %and3A_224 : memref<2048xi32, #tpu.memory_space<vmem>>[vector<16xi32>], vector<16xi32>, vector<16xi1>
        %all_reduce_population_count3A_233 = tpu.all_reduce %and3A_224 {dim = 0 : i64, kind = #tpu.reduction_kind<sum>} : vector<16xi1> -> vector<16xi32>
        %add3A_234 = arith.addi %add3A_200, %all_reduce_population_count3A_233 : vector<16xi32>
        %scan3A_235 = arith.constant 6 : i32
        %scan3A_236 = arith.addi %scan3A_39, %scan3A_235 : i32
        %mul3A_237 = arith.constant 16 : i32
        %mul3A_238 = arith.muli %scan3A_236, %mul3A_237 : i32
        %add3A_239 = vector.broadcast %mul3A_238 : i32 to vector<16xi32>
        %add3A_240 = arith.addi %add3A_239, %iota3A : vector<16xi32>
        %get3A_241 = arith.index_cast %mul3A_238 : i32 to index
        %get3A_242 = tpu.vector_load %arg4[%get3A_241] {strides = array<i32>} : memref<2048xi32, #tpu.memory_space<vmem>>, vector<16xi32>,
        %sub3A_243 = arith.constant 1 : i32
        %sub3A_244 = vector.broadcast %sub3A_243 : i32 to vector<16xi32>
        %sub3A_245 = arith.subi %add3A_240, %sub3A_244 : vector<16xi32>
        %max3A_246 = arith.constant 0 : i32
        %max3A_247 = vector.broadcast %max3A_246 : i32 to vector<16xi32>
        %max3A_248 = arith.maxsi %sub3A_245, %max3A_247 : vector<16xi32>
        %gather3A_249 = tpu.vector_load_idx %arg4[%max3A_248] : memref<2048xi32, #tpu.memory_space<vmem>>[vector<16xi32>], vector<16xi32>,
        %ne3A_250 = arith.cmpi ne, %get3A_242, %gather3A_249 : vector<16xi32>
        %eq3A_251 = arith.constant 0 : i32
        %eq3A_252 = vector.broadcast %eq3A_251 : i32 to vector<16xi32>
        %eq3A_253 = arith.cmpi eq, %add3A_240, %eq3A_252 : vector<16xi32>
        %or3A_254 = arith.ori %ne3A_250, %eq3A_253 : vector<16xi1>
        %ne3A_255 = arith.constant 95 : i32
        %ne3A_256 = vector.broadcast %ne3A_255 : i32 to vector<16xi32>
        %ne3A_257 = arith.cmpi ne, %get3A_242, %ne3A_256 : vector<16xi32>
        %and3A_258 = arith.andi %or3A_254, %ne3A_257 : vector<16xi1>
        %convert_element_type3A_259 = arith.extui %and3A_258 : vector<16xi1> to vector<16xi32>
        %broadcast_in_dim3A_260 = arith.constant true
        %broadcast_in_dim3A_261 = vector.broadcast %broadcast_in_dim3A_260 : i1 to vector<16xi1>
        %masked_cumsum3A_262 = tpu.scan <sum>, %convert_element_type3A_259 masked %broadcast_in_dim3A_261 : vector<16xi32>, vector<16xi1> -> vector<16xi32>
        %add3A_263 = arith.addi %add3A_234, %masked_cumsum3A_262 : vector<16xi32>
        %max3A_264 = arith.constant 0 : i32
        %max3A_265 = vector.broadcast %max3A_264 : i32 to vector<16xi32>
        %max3A_266 = arith.maxsi %add3A_263, %max3A_265 : vector<16xi32>
        tpu.vector_store_idx %arg5[%max3A_266], %get3A_242 masked %and3A_258 : memref<2048xi32, #tpu.memory_space<vmem>>[vector<16xi32>], vector<16xi32>, vector<16xi1>
        %all_reduce_population_count3A_267 = tpu.all_reduce %and3A_258 {dim = 0 : i64, kind = #tpu.reduction_kind<sum>} : vector<16xi1> -> vector<16xi32>
        %add3A_268 = arith.addi %add3A_234, %all_reduce_population_count3A_267 : vector<16xi32>
        %scan3A_269 = arith.constant 7 : i32
        %scan3A_270 = arith.addi %scan3A_39, %scan3A_269 : i32
        %mul3A_271 = arith.constant 16 : i32
        %mul3A_272 = arith.muli %scan3A_270, %mul3A_271 : i32
        %add3A_273 = vector.broadcast %mul3A_272 : i32 to vector<16xi32>
        %add3A_274 = arith.addi %add3A_273, %iota3A : vector<16xi32>
        %get3A_275 = arith.index_cast %mul3A_272 : i32 to index
        %get3A_276 = tpu.vector_load %arg4[%get3A_275] {strides = array<i32>} : memref<2048xi32, #tpu.memory_space<vmem>>, vector<16xi32>,
        %sub3A_277 = arith.constant 1 : i32
        %sub3A_278 = vector.broadcast %sub3A_277 : i32 to vector<16xi32>
        %sub3A_279 = arith.subi %add3A_274, %sub3A_278 : vector<16xi32>
        %max3A_280 = arith.constant 0 : i32
        %max3A_281 = vector.broadcast %max3A_280 : i32 to vector<16xi32>
        %max3A_282 = arith.maxsi %sub3A_279, %max3A_281 : vector<16xi32>
        %gather3A_283 = tpu.vector_load_idx %arg4[%max3A_282] : memref<2048xi32, #tpu.memory_space<vmem>>[vector<16xi32>], vector<16xi32>,
        %ne3A_284 = arith.cmpi ne, %get3A_276, %gather3A_283 : vector<16xi32>
        %eq3A_285 = arith.constant 0 : i32
        %eq3A_286 = vector.broadcast %eq3A_285 : i32 to vector<16xi32>
        %eq3A_287 = arith.cmpi eq, %add3A_274, %eq3A_286 : vector<16xi32>
        %or3A_288 = arith.ori %ne3A_284, %eq3A_287 : vector<16xi1>
        %ne3A_289 = arith.constant 95 : i32
        %ne3A_290 = vector.broadcast %ne3A_289 : i32 to vector<16xi32>
        %ne3A_291 = arith.cmpi ne, %get3A_276, %ne3A_290 : vector<16xi32>
        %and3A_292 = arith.andi %or3A_288, %ne3A_291 : vector<16xi1>
        %convert_element_type3A_293 = arith.extui %and3A_292 : vector<16xi1> to vector<16xi32>
        %broadcast_in_dim3A_294 = arith.constant true
        %broadcast_in_dim3A_295 = vector.broadcast %broadcast_in_dim3A_294 : i1 to vector<16xi1>
        %masked_cumsum3A_296 = tpu.scan <sum>, %convert_element_type3A_293 masked %broadcast_in_dim3A_295 : vector<16xi32>, vector<16xi1> -> vector<16xi32>
        %add3A_297 = arith.addi %add3A_268, %masked_cumsum3A_296 : vector<16xi32>
        %max3A_298 = arith.constant 0 : i32
        %max3A_299 = vector.broadcast %max3A_298 : i32 to vector<16xi32>
        %max3A_300 = arith.maxsi %add3A_297, %max3A_299 : vector<16xi32>
        tpu.vector_store_idx %arg5[%max3A_300], %get3A_276 masked %and3A_292 : memref<2048xi32, #tpu.memory_space<vmem>>[vector<16xi32>], vector<16xi32>, vector<16xi1>
        %all_reduce_population_count3A_301 = tpu.all_reduce %and3A_292 {dim = 0 : i64, kind = #tpu.reduction_kind<sum>} : vector<16xi1> -> vector<16xi32>
        %add3A_302 = arith.addi %add3A_268, %all_reduce_population_count3A_301 : vector<16xi32>
        scf.yield %add3A_302 : vector<16xi32>
      }
      %scan3A_9 = arith.constant 128 : i32
      %add3A = arith.constant 1 : i32
      %add3A_10 = vector.broadcast %add3A : i32 to vector<16xi32>
      %add3A_11 = arith.addi %scan3A_8, %add3A_10 : vector<16xi32>
      %slice3A = vector.extract_strided_slice %scan3A_8 {offsets = [0], sizes = [1], strides = [1]} : vector<16xi32> to vector<1xi32>
      %squeeze3A = vector.extract %slice3A[0] : i32 from vector<1xi32>
      %add3A_12 = arith.constant 1 : i32
      %add3A_13 = arith.addi %squeeze3A, %add3A_12 : i32
      %jit3A = arith.constant 16 : i32
      %div3A = arith.divsi %add3A_13, %jit3A : i32
      %sign3A = arith.constant 0 : i32
      %sign3A_14 = arith.cmpi sgt, %add3A_13, %sign3A : i32
      %sign3A_15 = arith.extui %sign3A_14 : i1 to i32
      %sign3A_16 = arith.constant 0 : i32
      %sign3A_17 = arith.cmpi slt, %add3A_13, %sign3A_16 : i32
      %sign3A_18 = arith.extui %sign3A_17 : i1 to i32
      %sign3A_19 = arith.subi %sign3A_15, %sign3A_18 : i32
      %sign3A_20 = arith.constant 0 : i32
      %sign3A_21 = arith.cmpi sgt, %jit3A, %sign3A_20 : i32
      %sign3A_22 = arith.extui %sign3A_21 : i1 to i32
      %sign3A_23 = arith.constant 0 : i32
      %sign3A_24 = arith.cmpi slt, %jit3A, %sign3A_23 : i32
      %sign3A_25 = arith.extui %sign3A_24 : i1 to i32
      %sign3A_26 = arith.subi %sign3A_22, %sign3A_25 : i32
      %ne3A = arith.cmpi ne, %sign3A_19, %sign3A_26 : i32
      %rem3A = arith.remsi %add3A_13, %jit3A : i32
      %ne3A_27 = arith.constant 0 : i32
      %ne3A_28 = arith.cmpi ne, %rem3A, %ne3A_27 : i32
      %and3A = arith.andi %ne3A, %ne3A_28 : i1
      %sub3A = arith.constant 1 : i32
      %sub3A_29 = arith.subi %div3A, %sub3A : i32
      %select_n3A = arith.select %and3A, %sub3A_29, %div3A : i32
      %while3A = arith.constant 0 : i32
      %while3A_30 = arith.constant 128 : i32
      %while3A_31 = arith.subi %while3A_30, %select_n3A : i32
      %while3A_32 = arith.addi %select_n3A, %while3A_31 : i32
      %while3A_33 = arith.constant 1 : i32
      %while3A_34 = arith.divsi %while3A_31, %while3A_33 : i32
      %while3A_35 = arith.muli %while3A_34, %while3A_33 : i32
      %while3A_36 = arith.addi %select_n3A, %while3A_35 : i32
      %while3A_37 = arith.constant 1 : i32
      scf.for %while3A_39 = %select_n3A to %while3A_36 step %while3A_37  : i32 {
        %mul3A = arith.constant 16 : i32
        %mul3A_40 = arith.muli %while3A_39, %mul3A : i32
        %add3A_41 = vector.broadcast %mul3A_40 : i32 to vector<16xi32>
        %add3A_42 = arith.addi %add3A_41, %iota3A : vector<16xi32>
        %ge3A = arith.cmpi sge, %add3A_42, %add3A_11 : vector<16xi32>
        tpu.vector_store_idx %arg5[%add3A_42], %broadcast_in_dim3A_2 masked %ge3A : memref<2048xi32, #tpu.memory_space<vmem>>[vector<16xi32>], vector<16xi32>, vector<16xi1>
      }
      %while3A_38 = arith.constant 1 : i32
      scf.for %while3A_39 = %while3A_36 to %while3A_32 step %while3A_38  : i32 {
        %mul3A = arith.constant 16 : i32
        %mul3A_40 = arith.muli %while3A_39, %mul3A : i32
        %add3A_41 = vector.broadcast %mul3A_40 : i32 to vector<16xi32>
        %add3A_42 = arith.addi %add3A_41, %iota3A : vector<16xi32>
        %ge3A = arith.cmpi sge, %add3A_42, %add3A_11 : vector<16xi32>
        tpu.vector_store_idx %arg5[%add3A_42], %broadcast_in_dim3A_2 masked %ge3A : memref<2048xi32, #tpu.memory_space<vmem>>[vector<16xi32>], vector<16xi32>, vector<16xi1>
      }
      "tpu.region"() ({
        %run_scoped3A = tpu.sem_alloc : memref<!tpu.dma_semaphore, #tpu.memory_space<semaphore_mem>>
        %dma_start3A = arith.constant 0 : i32
        %dma_start3A_39 = tpu.memref_slice %arg3[%arg1, %dma_start3A] : memref<16x2048xi32, #tpu.memory_space<hbm>> -> memref<1x2048xi32, #tpu.memory_space<hbm>>
        %dma_start3A_40 = tpu.memref_squeeze %dma_start3A_39 : memref<1x2048xi32, #tpu.memory_space<hbm>> -> memref<2048xi32, #tpu.memory_space<hbm>>
        %dma_start3A_41 = arith.constant 0 : i32
        %dma_start3A_42 = tpu.memref_slice %arg3[%arg1, %dma_start3A_41] : memref<16x2048xi32, #tpu.memory_space<hbm>> -> memref<1x2048xi32, #tpu.memory_space<hbm>>
        %dma_start3A_43 = tpu.memref_squeeze %dma_start3A_42 : memref<1x2048xi32, #tpu.memory_space<hbm>> -> memref<2048xi32, #tpu.memory_space<hbm>>
        tpu.enqueue_dma source(%arg5 : memref<2048xi32, #tpu.memory_space<vmem>>) target(%dma_start3A_43 : memref<2048xi32, #tpu.memory_space<hbm>>) target_semaphore(%run_scoped3A : memref<!tpu.dma_semaphore, #tpu.memory_space<semaphore_mem>>)
        %dma_wait3A = arith.constant 0 : i32
        %dma_wait3A_44 = tpu.memref_slice %arg3[%arg1, %dma_wait3A] : memref<16x2048xi32, #tpu.memory_space<hbm>> -> memref<1x2048xi32, #tpu.memory_space<hbm>>
        %dma_wait3A_45 = tpu.memref_squeeze %dma_wait3A_44 : memref<1x2048xi32, #tpu.memory_space<hbm>> -> memref<2048xi32, #tpu.memory_space<hbm>>
        %dma_wait3A_46 = arith.constant 0 : i32
        %dma_wait3A_47 = tpu.memref_slice %arg3[%arg1, %dma_wait3A_46] : memref<16x2048xi32, #tpu.memory_space<hbm>> -> memref<1x2048xi32, #tpu.memory_space<hbm>>
        %dma_wait3A_48 = tpu.memref_squeeze %dma_wait3A_47 : memref<1x2048xi32, #tpu.memory_space<hbm>> -> memref<2048xi32, #tpu.memory_space<hbm>>
        tpu.wait_dma2 semaphore(%run_scoped3A : memref<!tpu.dma_semaphore, #tpu.memory_space<semaphore_mem>>) src(%arg5 : memref<2048xi32, #tpu.memory_space<vmem>>) dst(%dma_wait3A_48 : memref<2048xi32, #tpu.memory_space<hbm>>)
        tpu.yield
      }) : () -> ()
    } else {
    }
    return
  }
}

module attributes {stable_mosaic.version = 14 : i64} {
  func.func @_argmax_body(%arg0: i32, %arg1: memref<16x96x1024xf32, #tpu.memory_space<vmem>>, %arg2: memref<16x1024xi32, #tpu.memory_space<vmem>>) attributes {dimension_semantics = [#tpu.dimension_semantics<arbitrary>], iteration_bounds = array<i64: 2>, scalar_prefetch = 0 : i64, scratch_operands = 0 : i64, tpu.core_type = #tpu.core_type<tc>, window_params = [{transform_indices = @transform_0, window_bounds = array<i64: 16, 96, 1024>}, {transform_indices = @transform_1, window_bounds = array<i64: 16, 1024>}]} {
    %get3A = arith.constant 0 : index
    %get3A_0 = arith.constant 0 : index
    %get3A_1 = arith.constant 0 : index
    %get3A_2 = vector.load %arg1[%get3A, %get3A_0, %get3A_1] : memref<16x96x1024xf32, #tpu.memory_space<vmem>>, vector<1x96x1024xf32>
    %get3A_3 = vector.shape_cast %get3A_2 : vector<1x96x1024xf32> to vector<96x1024xf32>
    %reduce_max3A = arith.constant dense<0xFF800000> : vector<1024xf32>
    %reduce_max3A_4 = vector.multi_reduction <maximumf>, %get3A_3, %reduce_max3A [0] : vector<96x1024xf32> to vector<1024xf32>
    %broadcast_in_dim3A = vector.shape_cast %reduce_max3A_4 : vector<1024xf32> to vector<1x1024xf32>
    %iota3A = tpu.iota {dimensions = array<i32: 0>} : vector<96x1024xi32>
    %eq3A = vector.broadcast %broadcast_in_dim3A : vector<1x1024xf32> to vector<96x1024xf32>
    %eq3A_5 = arith.cmpf oeq, %get3A_3, %eq3A : vector<96x1024xf32>
    %jit3A = arith.constant 96 : i32
    %broadcast_in_dim3A_6 = vector.broadcast %jit3A : i32 to vector<96x1024xi32>
    %select_n3A = arith.select %eq3A_5, %iota3A, %broadcast_in_dim3A_6 : vector<96x1024xi1>, vector<96x1024xi32>
    %reduce_min3A = arith.constant dense<2147483647> : vector<1024xi32>
    %reduce_min3A_7 = vector.multi_reduction <minsi>, %select_n3A, %reduce_min3A [0] : vector<96x1024xi32> to vector<1024xi32>
    %swap3A = arith.constant 0 : index
    %swap3A_8 = arith.constant 0 : index
    %swap3A_9 = vector.load %arg2[%swap3A, %swap3A_8] : memref<16x1024xi32, #tpu.memory_space<vmem>>, vector<1x1024xi32>
    %swap3A_10 = vector.shape_cast %swap3A_9 : vector<1x1024xi32> to vector<1024xi32>
    %swap3A_11 = vector.shape_cast %reduce_min3A_7 : vector<1024xi32> to vector<1x1024xi32>
    tpu.vector_store %arg2[%swap3A, %swap3A_8], %swap3A_11 {strides = array<i32>} : memref<16x1024xi32, #tpu.memory_space<vmem>>, vector<1x1024xi32>,
    %get3A_12 = arith.constant 1 : index
    %get3A_13 = arith.constant 0 : index
    %get3A_14 = arith.constant 0 : index
    %get3A_15 = vector.load %arg1[%get3A_12, %get3A_13, %get3A_14] : memref<16x96x1024xf32, #tpu.memory_space<vmem>>, vector<1x96x1024xf32>
    %get3A_16 = vector.shape_cast %get3A_15 : vector<1x96x1024xf32> to vector<96x1024xf32>
    %reduce_max3A_17 = arith.constant dense<0xFF800000> : vector<1024xf32>
    %reduce_max3A_18 = vector.multi_reduction <maximumf>, %get3A_16, %reduce_max3A_17 [0] : vector<96x1024xf32> to vector<1024xf32>
    %broadcast_in_dim3A_19 = vector.shape_cast %reduce_max3A_18 : vector<1024xf32> to vector<1x1024xf32>
    %iota3A_20 = tpu.iota {dimensions = array<i32: 0>} : vector<96x1024xi32>
    %eq3A_21 = vector.broadcast %broadcast_in_dim3A_19 : vector<1x1024xf32> to vector<96x1024xf32>
    %eq3A_22 = arith.cmpf oeq, %get3A_16, %eq3A_21 : vector<96x1024xf32>
    %jit3A_23 = arith.constant 96 : i32
    %broadcast_in_dim3A_24 = vector.broadcast %jit3A_23 : i32 to vector<96x1024xi32>
    %select_n3A_25 = arith.select %eq3A_22, %iota3A_20, %broadcast_in_dim3A_24 : vector<96x1024xi1>, vector<96x1024xi32>
    %reduce_min3A_26 = arith.constant dense<2147483647> : vector<1024xi32>
    %reduce_min3A_27 = vector.multi_reduction <minsi>, %select_n3A_25, %reduce_min3A_26 [0] : vector<96x1024xi32> to vector<1024xi32>
    %swap3A_28 = arith.constant 1 : index
    %swap3A_29 = arith.constant 0 : index
    %swap3A_30 = vector.load %arg2[%swap3A_28, %swap3A_29] : memref<16x1024xi32, #tpu.memory_space<vmem>>, vector<1x1024xi32>
    %swap3A_31 = vector.shape_cast %swap3A_30 : vector<1x1024xi32> to vector<1024xi32>
    %swap3A_32 = vector.shape_cast %reduce_min3A_27 : vector<1024xi32> to vector<1x1024xi32>
    tpu.vector_store %arg2[%swap3A_28, %swap3A_29], %swap3A_32 {strides = array<i32>} : memref<16x1024xi32, #tpu.memory_space<vmem>>, vector<1x1024xi32>,
    %get3A_33 = arith.constant 2 : index
    %get3A_34 = arith.constant 0 : index
    %get3A_35 = arith.constant 0 : index
    %get3A_36 = vector.load %arg1[%get3A_33, %get3A_34, %get3A_35] : memref<16x96x1024xf32, #tpu.memory_space<vmem>>, vector<1x96x1024xf32>
    %get3A_37 = vector.shape_cast %get3A_36 : vector<1x96x1024xf32> to vector<96x1024xf32>
    %reduce_max3A_38 = arith.constant dense<0xFF800000> : vector<1024xf32>
    %reduce_max3A_39 = vector.multi_reduction <maximumf>, %get3A_37, %reduce_max3A_38 [0] : vector<96x1024xf32> to vector<1024xf32>
    %broadcast_in_dim3A_40 = vector.shape_cast %reduce_max3A_39 : vector<1024xf32> to vector<1x1024xf32>
    %iota3A_41 = tpu.iota {dimensions = array<i32: 0>} : vector<96x1024xi32>
    %eq3A_42 = vector.broadcast %broadcast_in_dim3A_40 : vector<1x1024xf32> to vector<96x1024xf32>
    %eq3A_43 = arith.cmpf oeq, %get3A_37, %eq3A_42 : vector<96x1024xf32>
    %jit3A_44 = arith.constant 96 : i32
    %broadcast_in_dim3A_45 = vector.broadcast %jit3A_44 : i32 to vector<96x1024xi32>
    %select_n3A_46 = arith.select %eq3A_43, %iota3A_41, %broadcast_in_dim3A_45 : vector<96x1024xi1>, vector<96x1024xi32>
    %reduce_min3A_47 = arith.constant dense<2147483647> : vector<1024xi32>
    %reduce_min3A_48 = vector.multi_reduction <minsi>, %select_n3A_46, %reduce_min3A_47 [0] : vector<96x1024xi32> to vector<1024xi32>
    %swap3A_49 = arith.constant 2 : index
    %swap3A_50 = arith.constant 0 : index
    %swap3A_51 = vector.load %arg2[%swap3A_49, %swap3A_50] : memref<16x1024xi32, #tpu.memory_space<vmem>>, vector<1x1024xi32>
    %swap3A_52 = vector.shape_cast %swap3A_51 : vector<1x1024xi32> to vector<1024xi32>
    %swap3A_53 = vector.shape_cast %reduce_min3A_48 : vector<1024xi32> to vector<1x1024xi32>
    tpu.vector_store %arg2[%swap3A_49, %swap3A_50], %swap3A_53 {strides = array<i32>} : memref<16x1024xi32, #tpu.memory_space<vmem>>, vector<1x1024xi32>,
    %get3A_54 = arith.constant 3 : index
    %get3A_55 = arith.constant 0 : index
    %get3A_56 = arith.constant 0 : index
    %get3A_57 = vector.load %arg1[%get3A_54, %get3A_55, %get3A_56] : memref<16x96x1024xf32, #tpu.memory_space<vmem>>, vector<1x96x1024xf32>
    %get3A_58 = vector.shape_cast %get3A_57 : vector<1x96x1024xf32> to vector<96x1024xf32>
    %reduce_max3A_59 = arith.constant dense<0xFF800000> : vector<1024xf32>
    %reduce_max3A_60 = vector.multi_reduction <maximumf>, %get3A_58, %reduce_max3A_59 [0] : vector<96x1024xf32> to vector<1024xf32>
    %broadcast_in_dim3A_61 = vector.shape_cast %reduce_max3A_60 : vector<1024xf32> to vector<1x1024xf32>
    %iota3A_62 = tpu.iota {dimensions = array<i32: 0>} : vector<96x1024xi32>
    %eq3A_63 = vector.broadcast %broadcast_in_dim3A_61 : vector<1x1024xf32> to vector<96x1024xf32>
    %eq3A_64 = arith.cmpf oeq, %get3A_58, %eq3A_63 : vector<96x1024xf32>
    %jit3A_65 = arith.constant 96 : i32
    %broadcast_in_dim3A_66 = vector.broadcast %jit3A_65 : i32 to vector<96x1024xi32>
    %select_n3A_67 = arith.select %eq3A_64, %iota3A_62, %broadcast_in_dim3A_66 : vector<96x1024xi1>, vector<96x1024xi32>
    %reduce_min3A_68 = arith.constant dense<2147483647> : vector<1024xi32>
    %reduce_min3A_69 = vector.multi_reduction <minsi>, %select_n3A_67, %reduce_min3A_68 [0] : vector<96x1024xi32> to vector<1024xi32>
    %swap3A_70 = arith.constant 3 : index
    %swap3A_71 = arith.constant 0 : index
    %swap3A_72 = vector.load %arg2[%swap3A_70, %swap3A_71] : memref<16x1024xi32, #tpu.memory_space<vmem>>, vector<1x1024xi32>
    %swap3A_73 = vector.shape_cast %swap3A_72 : vector<1x1024xi32> to vector<1024xi32>
    %swap3A_74 = vector.shape_cast %reduce_min3A_69 : vector<1024xi32> to vector<1x1024xi32>
    tpu.vector_store %arg2[%swap3A_70, %swap3A_71], %swap3A_74 {strides = array<i32>} : memref<16x1024xi32, #tpu.memory_space<vmem>>, vector<1x1024xi32>,
    %get3A_75 = arith.constant 4 : index
    %get3A_76 = arith.constant 0 : index
    %get3A_77 = arith.constant 0 : index
    %get3A_78 = vector.load %arg1[%get3A_75, %get3A_76, %get3A_77] : memref<16x96x1024xf32, #tpu.memory_space<vmem>>, vector<1x96x1024xf32>
    %get3A_79 = vector.shape_cast %get3A_78 : vector<1x96x1024xf32> to vector<96x1024xf32>
    %reduce_max3A_80 = arith.constant dense<0xFF800000> : vector<1024xf32>
    %reduce_max3A_81 = vector.multi_reduction <maximumf>, %get3A_79, %reduce_max3A_80 [0] : vector<96x1024xf32> to vector<1024xf32>
    %broadcast_in_dim3A_82 = vector.shape_cast %reduce_max3A_81 : vector<1024xf32> to vector<1x1024xf32>
    %iota3A_83 = tpu.iota {dimensions = array<i32: 0>} : vector<96x1024xi32>
    %eq3A_84 = vector.broadcast %broadcast_in_dim3A_82 : vector<1x1024xf32> to vector<96x1024xf32>
    %eq3A_85 = arith.cmpf oeq, %get3A_79, %eq3A_84 : vector<96x1024xf32>
    %jit3A_86 = arith.constant 96 : i32
    %broadcast_in_dim3A_87 = vector.broadcast %jit3A_86 : i32 to vector<96x1024xi32>
    %select_n3A_88 = arith.select %eq3A_85, %iota3A_83, %broadcast_in_dim3A_87 : vector<96x1024xi1>, vector<96x1024xi32>
    %reduce_min3A_89 = arith.constant dense<2147483647> : vector<1024xi32>
    %reduce_min3A_90 = vector.multi_reduction <minsi>, %select_n3A_88, %reduce_min3A_89 [0] : vector<96x1024xi32> to vector<1024xi32>
    %swap3A_91 = arith.constant 4 : index
    %swap3A_92 = arith.constant 0 : index
    %swap3A_93 = vector.load %arg2[%swap3A_91, %swap3A_92] : memref<16x1024xi32, #tpu.memory_space<vmem>>, vector<1x1024xi32>
    %swap3A_94 = vector.shape_cast %swap3A_93 : vector<1x1024xi32> to vector<1024xi32>
    %swap3A_95 = vector.shape_cast %reduce_min3A_90 : vector<1024xi32> to vector<1x1024xi32>
    tpu.vector_store %arg2[%swap3A_91, %swap3A_92], %swap3A_95 {strides = array<i32>} : memref<16x1024xi32, #tpu.memory_space<vmem>>, vector<1x1024xi32>,
    %get3A_96 = arith.constant 5 : index
    %get3A_97 = arith.constant 0 : index
    %get3A_98 = arith.constant 0 : index
    %get3A_99 = vector.load %arg1[%get3A_96, %get3A_97, %get3A_98] : memref<16x96x1024xf32, #tpu.memory_space<vmem>>, vector<1x96x1024xf32>
    %get3A_100 = vector.shape_cast %get3A_99 : vector<1x96x1024xf32> to vector<96x1024xf32>
    %reduce_max3A_101 = arith.constant dense<0xFF800000> : vector<1024xf32>
    %reduce_max3A_102 = vector.multi_reduction <maximumf>, %get3A_100, %reduce_max3A_101 [0] : vector<96x1024xf32> to vector<1024xf32>
    %broadcast_in_dim3A_103 = vector.shape_cast %reduce_max3A_102 : vector<1024xf32> to vector<1x1024xf32>
    %iota3A_104 = tpu.iota {dimensions = array<i32: 0>} : vector<96x1024xi32>
    %eq3A_105 = vector.broadcast %broadcast_in_dim3A_103 : vector<1x1024xf32> to vector<96x1024xf32>
    %eq3A_106 = arith.cmpf oeq, %get3A_100, %eq3A_105 : vector<96x1024xf32>
    %jit3A_107 = arith.constant 96 : i32
    %broadcast_in_dim3A_108 = vector.broadcast %jit3A_107 : i32 to vector<96x1024xi32>
    %select_n3A_109 = arith.select %eq3A_106, %iota3A_104, %broadcast_in_dim3A_108 : vector<96x1024xi1>, vector<96x1024xi32>
    %reduce_min3A_110 = arith.constant dense<2147483647> : vector<1024xi32>
    %reduce_min3A_111 = vector.multi_reduction <minsi>, %select_n3A_109, %reduce_min3A_110 [0] : vector<96x1024xi32> to vector<1024xi32>
    %swap3A_112 = arith.constant 5 : index
    %swap3A_113 = arith.constant 0 : index
    %swap3A_114 = vector.load %arg2[%swap3A_112, %swap3A_113] : memref<16x1024xi32, #tpu.memory_space<vmem>>, vector<1x1024xi32>
    %swap3A_115 = vector.shape_cast %swap3A_114 : vector<1x1024xi32> to vector<1024xi32>
    %swap3A_116 = vector.shape_cast %reduce_min3A_111 : vector<1024xi32> to vector<1x1024xi32>
    tpu.vector_store %arg2[%swap3A_112, %swap3A_113], %swap3A_116 {strides = array<i32>} : memref<16x1024xi32, #tpu.memory_space<vmem>>, vector<1x1024xi32>,
    %get3A_117 = arith.constant 6 : index
    %get3A_118 = arith.constant 0 : index
    %get3A_119 = arith.constant 0 : index
    %get3A_120 = vector.load %arg1[%get3A_117, %get3A_118, %get3A_119] : memref<16x96x1024xf32, #tpu.memory_space<vmem>>, vector<1x96x1024xf32>
    %get3A_121 = vector.shape_cast %get3A_120 : vector<1x96x1024xf32> to vector<96x1024xf32>
    %reduce_max3A_122 = arith.constant dense<0xFF800000> : vector<1024xf32>
    %reduce_max3A_123 = vector.multi_reduction <maximumf>, %get3A_121, %reduce_max3A_122 [0] : vector<96x1024xf32> to vector<1024xf32>
    %broadcast_in_dim3A_124 = vector.shape_cast %reduce_max3A_123 : vector<1024xf32> to vector<1x1024xf32>
    %iota3A_125 = tpu.iota {dimensions = array<i32: 0>} : vector<96x1024xi32>
    %eq3A_126 = vector.broadcast %broadcast_in_dim3A_124 : vector<1x1024xf32> to vector<96x1024xf32>
    %eq3A_127 = arith.cmpf oeq, %get3A_121, %eq3A_126 : vector<96x1024xf32>
    %jit3A_128 = arith.constant 96 : i32
    %broadcast_in_dim3A_129 = vector.broadcast %jit3A_128 : i32 to vector<96x1024xi32>
    %select_n3A_130 = arith.select %eq3A_127, %iota3A_125, %broadcast_in_dim3A_129 : vector<96x1024xi1>, vector<96x1024xi32>
    %reduce_min3A_131 = arith.constant dense<2147483647> : vector<1024xi32>
    %reduce_min3A_132 = vector.multi_reduction <minsi>, %select_n3A_130, %reduce_min3A_131 [0] : vector<96x1024xi32> to vector<1024xi32>
    %swap3A_133 = arith.constant 6 : index
    %swap3A_134 = arith.constant 0 : index
    %swap3A_135 = vector.load %arg2[%swap3A_133, %swap3A_134] : memref<16x1024xi32, #tpu.memory_space<vmem>>, vector<1x1024xi32>
    %swap3A_136 = vector.shape_cast %swap3A_135 : vector<1x1024xi32> to vector<1024xi32>
    %swap3A_137 = vector.shape_cast %reduce_min3A_132 : vector<1024xi32> to vector<1x1024xi32>
    tpu.vector_store %arg2[%swap3A_133, %swap3A_134], %swap3A_137 {strides = array<i32>} : memref<16x1024xi32, #tpu.memory_space<vmem>>, vector<1x1024xi32>,
    %get3A_138 = arith.constant 7 : index
    %get3A_139 = arith.constant 0 : index
    %get3A_140 = arith.constant 0 : index
    %get3A_141 = vector.load %arg1[%get3A_138, %get3A_139, %get3A_140] : memref<16x96x1024xf32, #tpu.memory_space<vmem>>, vector<1x96x1024xf32>
    %get3A_142 = vector.shape_cast %get3A_141 : vector<1x96x1024xf32> to vector<96x1024xf32>
    %reduce_max3A_143 = arith.constant dense<0xFF800000> : vector<1024xf32>
    %reduce_max3A_144 = vector.multi_reduction <maximumf>, %get3A_142, %reduce_max3A_143 [0] : vector<96x1024xf32> to vector<1024xf32>
    %broadcast_in_dim3A_145 = vector.shape_cast %reduce_max3A_144 : vector<1024xf32> to vector<1x1024xf32>
    %iota3A_146 = tpu.iota {dimensions = array<i32: 0>} : vector<96x1024xi32>
    %eq3A_147 = vector.broadcast %broadcast_in_dim3A_145 : vector<1x1024xf32> to vector<96x1024xf32>
    %eq3A_148 = arith.cmpf oeq, %get3A_142, %eq3A_147 : vector<96x1024xf32>
    %jit3A_149 = arith.constant 96 : i32
    %broadcast_in_dim3A_150 = vector.broadcast %jit3A_149 : i32 to vector<96x1024xi32>
    %select_n3A_151 = arith.select %eq3A_148, %iota3A_146, %broadcast_in_dim3A_150 : vector<96x1024xi1>, vector<96x1024xi32>
    %reduce_min3A_152 = arith.constant dense<2147483647> : vector<1024xi32>
    %reduce_min3A_153 = vector.multi_reduction <minsi>, %select_n3A_151, %reduce_min3A_152 [0] : vector<96x1024xi32> to vector<1024xi32>
    %swap3A_154 = arith.constant 7 : index
    %swap3A_155 = arith.constant 0 : index
    %swap3A_156 = vector.load %arg2[%swap3A_154, %swap3A_155] : memref<16x1024xi32, #tpu.memory_space<vmem>>, vector<1x1024xi32>
    %swap3A_157 = vector.shape_cast %swap3A_156 : vector<1x1024xi32> to vector<1024xi32>
    %swap3A_158 = vector.shape_cast %reduce_min3A_153 : vector<1024xi32> to vector<1x1024xi32>
    tpu.vector_store %arg2[%swap3A_154, %swap3A_155], %swap3A_158 {strides = array<i32>} : memref<16x1024xi32, #tpu.memory_space<vmem>>, vector<1x1024xi32>,
    %get3A_159 = arith.constant 8 : index
    %get3A_160 = arith.constant 0 : index
    %get3A_161 = arith.constant 0 : index
    %get3A_162 = vector.load %arg1[%get3A_159, %get3A_160, %get3A_161] : memref<16x96x1024xf32, #tpu.memory_space<vmem>>, vector<1x96x1024xf32>
    %get3A_163 = vector.shape_cast %get3A_162 : vector<1x96x1024xf32> to vector<96x1024xf32>
    %reduce_max3A_164 = arith.constant dense<0xFF800000> : vector<1024xf32>
    %reduce_max3A_165 = vector.multi_reduction <maximumf>, %get3A_163, %reduce_max3A_164 [0] : vector<96x1024xf32> to vector<1024xf32>
    %broadcast_in_dim3A_166 = vector.shape_cast %reduce_max3A_165 : vector<1024xf32> to vector<1x1024xf32>
    %iota3A_167 = tpu.iota {dimensions = array<i32: 0>} : vector<96x1024xi32>
    %eq3A_168 = vector.broadcast %broadcast_in_dim3A_166 : vector<1x1024xf32> to vector<96x1024xf32>
    %eq3A_169 = arith.cmpf oeq, %get3A_163, %eq3A_168 : vector<96x1024xf32>
    %jit3A_170 = arith.constant 96 : i32
    %broadcast_in_dim3A_171 = vector.broadcast %jit3A_170 : i32 to vector<96x1024xi32>
    %select_n3A_172 = arith.select %eq3A_169, %iota3A_167, %broadcast_in_dim3A_171 : vector<96x1024xi1>, vector<96x1024xi32>
    %reduce_min3A_173 = arith.constant dense<2147483647> : vector<1024xi32>
    %reduce_min3A_174 = vector.multi_reduction <minsi>, %select_n3A_172, %reduce_min3A_173 [0] : vector<96x1024xi32> to vector<1024xi32>
    %swap3A_175 = arith.constant 8 : index
    %swap3A_176 = arith.constant 0 : index
    %swap3A_177 = vector.load %arg2[%swap3A_175, %swap3A_176] : memref<16x1024xi32, #tpu.memory_space<vmem>>, vector<1x1024xi32>
    %swap3A_178 = vector.shape_cast %swap3A_177 : vector<1x1024xi32> to vector<1024xi32>
    %swap3A_179 = vector.shape_cast %reduce_min3A_174 : vector<1024xi32> to vector<1x1024xi32>
    tpu.vector_store %arg2[%swap3A_175, %swap3A_176], %swap3A_179 {strides = array<i32>} : memref<16x1024xi32, #tpu.memory_space<vmem>>, vector<1x1024xi32>,
    %get3A_180 = arith.constant 9 : index
    %get3A_181 = arith.constant 0 : index
    %get3A_182 = arith.constant 0 : index
    %get3A_183 = vector.load %arg1[%get3A_180, %get3A_181, %get3A_182] : memref<16x96x1024xf32, #tpu.memory_space<vmem>>, vector<1x96x1024xf32>
    %get3A_184 = vector.shape_cast %get3A_183 : vector<1x96x1024xf32> to vector<96x1024xf32>
    %reduce_max3A_185 = arith.constant dense<0xFF800000> : vector<1024xf32>
    %reduce_max3A_186 = vector.multi_reduction <maximumf>, %get3A_184, %reduce_max3A_185 [0] : vector<96x1024xf32> to vector<1024xf32>
    %broadcast_in_dim3A_187 = vector.shape_cast %reduce_max3A_186 : vector<1024xf32> to vector<1x1024xf32>
    %iota3A_188 = tpu.iota {dimensions = array<i32: 0>} : vector<96x1024xi32>
    %eq3A_189 = vector.broadcast %broadcast_in_dim3A_187 : vector<1x1024xf32> to vector<96x1024xf32>
    %eq3A_190 = arith.cmpf oeq, %get3A_184, %eq3A_189 : vector<96x1024xf32>
    %jit3A_191 = arith.constant 96 : i32
    %broadcast_in_dim3A_192 = vector.broadcast %jit3A_191 : i32 to vector<96x1024xi32>
    %select_n3A_193 = arith.select %eq3A_190, %iota3A_188, %broadcast_in_dim3A_192 : vector<96x1024xi1>, vector<96x1024xi32>
    %reduce_min3A_194 = arith.constant dense<2147483647> : vector<1024xi32>
    %reduce_min3A_195 = vector.multi_reduction <minsi>, %select_n3A_193, %reduce_min3A_194 [0] : vector<96x1024xi32> to vector<1024xi32>
    %swap3A_196 = arith.constant 9 : index
    %swap3A_197 = arith.constant 0 : index
    %swap3A_198 = vector.load %arg2[%swap3A_196, %swap3A_197] : memref<16x1024xi32, #tpu.memory_space<vmem>>, vector<1x1024xi32>
    %swap3A_199 = vector.shape_cast %swap3A_198 : vector<1x1024xi32> to vector<1024xi32>
    %swap3A_200 = vector.shape_cast %reduce_min3A_195 : vector<1024xi32> to vector<1x1024xi32>
    tpu.vector_store %arg2[%swap3A_196, %swap3A_197], %swap3A_200 {strides = array<i32>} : memref<16x1024xi32, #tpu.memory_space<vmem>>, vector<1x1024xi32>,
    %get3A_201 = arith.constant 10 : index
    %get3A_202 = arith.constant 0 : index
    %get3A_203 = arith.constant 0 : index
    %get3A_204 = vector.load %arg1[%get3A_201, %get3A_202, %get3A_203] : memref<16x96x1024xf32, #tpu.memory_space<vmem>>, vector<1x96x1024xf32>
    %get3A_205 = vector.shape_cast %get3A_204 : vector<1x96x1024xf32> to vector<96x1024xf32>
    %reduce_max3A_206 = arith.constant dense<0xFF800000> : vector<1024xf32>
    %reduce_max3A_207 = vector.multi_reduction <maximumf>, %get3A_205, %reduce_max3A_206 [0] : vector<96x1024xf32> to vector<1024xf32>
    %broadcast_in_dim3A_208 = vector.shape_cast %reduce_max3A_207 : vector<1024xf32> to vector<1x1024xf32>
    %iota3A_209 = tpu.iota {dimensions = array<i32: 0>} : vector<96x1024xi32>
    %eq3A_210 = vector.broadcast %broadcast_in_dim3A_208 : vector<1x1024xf32> to vector<96x1024xf32>
    %eq3A_211 = arith.cmpf oeq, %get3A_205, %eq3A_210 : vector<96x1024xf32>
    %jit3A_212 = arith.constant 96 : i32
    %broadcast_in_dim3A_213 = vector.broadcast %jit3A_212 : i32 to vector<96x1024xi32>
    %select_n3A_214 = arith.select %eq3A_211, %iota3A_209, %broadcast_in_dim3A_213 : vector<96x1024xi1>, vector<96x1024xi32>
    %reduce_min3A_215 = arith.constant dense<2147483647> : vector<1024xi32>
    %reduce_min3A_216 = vector.multi_reduction <minsi>, %select_n3A_214, %reduce_min3A_215 [0] : vector<96x1024xi32> to vector<1024xi32>
    %swap3A_217 = arith.constant 10 : index
    %swap3A_218 = arith.constant 0 : index
    %swap3A_219 = vector.load %arg2[%swap3A_217, %swap3A_218] : memref<16x1024xi32, #tpu.memory_space<vmem>>, vector<1x1024xi32>
    %swap3A_220 = vector.shape_cast %swap3A_219 : vector<1x1024xi32> to vector<1024xi32>
    %swap3A_221 = vector.shape_cast %reduce_min3A_216 : vector<1024xi32> to vector<1x1024xi32>
    tpu.vector_store %arg2[%swap3A_217, %swap3A_218], %swap3A_221 {strides = array<i32>} : memref<16x1024xi32, #tpu.memory_space<vmem>>, vector<1x1024xi32>,
    %get3A_222 = arith.constant 11 : index
    %get3A_223 = arith.constant 0 : index
    %get3A_224 = arith.constant 0 : index
    %get3A_225 = vector.load %arg1[%get3A_222, %get3A_223, %get3A_224] : memref<16x96x1024xf32, #tpu.memory_space<vmem>>, vector<1x96x1024xf32>
    %get3A_226 = vector.shape_cast %get3A_225 : vector<1x96x1024xf32> to vector<96x1024xf32>
    %reduce_max3A_227 = arith.constant dense<0xFF800000> : vector<1024xf32>
    %reduce_max3A_228 = vector.multi_reduction <maximumf>, %get3A_226, %reduce_max3A_227 [0] : vector<96x1024xf32> to vector<1024xf32>
    %broadcast_in_dim3A_229 = vector.shape_cast %reduce_max3A_228 : vector<1024xf32> to vector<1x1024xf32>
    %iota3A_230 = tpu.iota {dimensions = array<i32: 0>} : vector<96x1024xi32>
    %eq3A_231 = vector.broadcast %broadcast_in_dim3A_229 : vector<1x1024xf32> to vector<96x1024xf32>
    %eq3A_232 = arith.cmpf oeq, %get3A_226, %eq3A_231 : vector<96x1024xf32>
    %jit3A_233 = arith.constant 96 : i32
    %broadcast_in_dim3A_234 = vector.broadcast %jit3A_233 : i32 to vector<96x1024xi32>
    %select_n3A_235 = arith.select %eq3A_232, %iota3A_230, %broadcast_in_dim3A_234 : vector<96x1024xi1>, vector<96x1024xi32>
    %reduce_min3A_236 = arith.constant dense<2147483647> : vector<1024xi32>
    %reduce_min3A_237 = vector.multi_reduction <minsi>, %select_n3A_235, %reduce_min3A_236 [0] : vector<96x1024xi32> to vector<1024xi32>
    %swap3A_238 = arith.constant 11 : index
    %swap3A_239 = arith.constant 0 : index
    %swap3A_240 = vector.load %arg2[%swap3A_238, %swap3A_239] : memref<16x1024xi32, #tpu.memory_space<vmem>>, vector<1x1024xi32>
    %swap3A_241 = vector.shape_cast %swap3A_240 : vector<1x1024xi32> to vector<1024xi32>
    %swap3A_242 = vector.shape_cast %reduce_min3A_237 : vector<1024xi32> to vector<1x1024xi32>
    tpu.vector_store %arg2[%swap3A_238, %swap3A_239], %swap3A_242 {strides = array<i32>} : memref<16x1024xi32, #tpu.memory_space<vmem>>, vector<1x1024xi32>,
    %get3A_243 = arith.constant 12 : index
    %get3A_244 = arith.constant 0 : index
    %get3A_245 = arith.constant 0 : index
    %get3A_246 = vector.load %arg1[%get3A_243, %get3A_244, %get3A_245] : memref<16x96x1024xf32, #tpu.memory_space<vmem>>, vector<1x96x1024xf32>
    %get3A_247 = vector.shape_cast %get3A_246 : vector<1x96x1024xf32> to vector<96x1024xf32>
    %reduce_max3A_248 = arith.constant dense<0xFF800000> : vector<1024xf32>
    %reduce_max3A_249 = vector.multi_reduction <maximumf>, %get3A_247, %reduce_max3A_248 [0] : vector<96x1024xf32> to vector<1024xf32>
    %broadcast_in_dim3A_250 = vector.shape_cast %reduce_max3A_249 : vector<1024xf32> to vector<1x1024xf32>
    %iota3A_251 = tpu.iota {dimensions = array<i32: 0>} : vector<96x1024xi32>
    %eq3A_252 = vector.broadcast %broadcast_in_dim3A_250 : vector<1x1024xf32> to vector<96x1024xf32>
    %eq3A_253 = arith.cmpf oeq, %get3A_247, %eq3A_252 : vector<96x1024xf32>
    %jit3A_254 = arith.constant 96 : i32
    %broadcast_in_dim3A_255 = vector.broadcast %jit3A_254 : i32 to vector<96x1024xi32>
    %select_n3A_256 = arith.select %eq3A_253, %iota3A_251, %broadcast_in_dim3A_255 : vector<96x1024xi1>, vector<96x1024xi32>
    %reduce_min3A_257 = arith.constant dense<2147483647> : vector<1024xi32>
    %reduce_min3A_258 = vector.multi_reduction <minsi>, %select_n3A_256, %reduce_min3A_257 [0] : vector<96x1024xi32> to vector<1024xi32>
    %swap3A_259 = arith.constant 12 : index
    %swap3A_260 = arith.constant 0 : index
    %swap3A_261 = vector.load %arg2[%swap3A_259, %swap3A_260] : memref<16x1024xi32, #tpu.memory_space<vmem>>, vector<1x1024xi32>
    %swap3A_262 = vector.shape_cast %swap3A_261 : vector<1x1024xi32> to vector<1024xi32>
    %swap3A_263 = vector.shape_cast %reduce_min3A_258 : vector<1024xi32> to vector<1x1024xi32>
    tpu.vector_store %arg2[%swap3A_259, %swap3A_260], %swap3A_263 {strides = array<i32>} : memref<16x1024xi32, #tpu.memory_space<vmem>>, vector<1x1024xi32>,
    %get3A_264 = arith.constant 13 : index
    %get3A_265 = arith.constant 0 : index
    %get3A_266 = arith.constant 0 : index
    %get3A_267 = vector.load %arg1[%get3A_264, %get3A_265, %get3A_266] : memref<16x96x1024xf32, #tpu.memory_space<vmem>>, vector<1x96x1024xf32>
    %get3A_268 = vector.shape_cast %get3A_267 : vector<1x96x1024xf32> to vector<96x1024xf32>
    %reduce_max3A_269 = arith.constant dense<0xFF800000> : vector<1024xf32>
    %reduce_max3A_270 = vector.multi_reduction <maximumf>, %get3A_268, %reduce_max3A_269 [0] : vector<96x1024xf32> to vector<1024xf32>
    %broadcast_in_dim3A_271 = vector.shape_cast %reduce_max3A_270 : vector<1024xf32> to vector<1x1024xf32>
    %iota3A_272 = tpu.iota {dimensions = array<i32: 0>} : vector<96x1024xi32>
    %eq3A_273 = vector.broadcast %broadcast_in_dim3A_271 : vector<1x1024xf32> to vector<96x1024xf32>
    %eq3A_274 = arith.cmpf oeq, %get3A_268, %eq3A_273 : vector<96x1024xf32>
    %jit3A_275 = arith.constant 96 : i32
    %broadcast_in_dim3A_276 = vector.broadcast %jit3A_275 : i32 to vector<96x1024xi32>
    %select_n3A_277 = arith.select %eq3A_274, %iota3A_272, %broadcast_in_dim3A_276 : vector<96x1024xi1>, vector<96x1024xi32>
    %reduce_min3A_278 = arith.constant dense<2147483647> : vector<1024xi32>
    %reduce_min3A_279 = vector.multi_reduction <minsi>, %select_n3A_277, %reduce_min3A_278 [0] : vector<96x1024xi32> to vector<1024xi32>
    %swap3A_280 = arith.constant 13 : index
    %swap3A_281 = arith.constant 0 : index
    %swap3A_282 = vector.load %arg2[%swap3A_280, %swap3A_281] : memref<16x1024xi32, #tpu.memory_space<vmem>>, vector<1x1024xi32>
    %swap3A_283 = vector.shape_cast %swap3A_282 : vector<1x1024xi32> to vector<1024xi32>
    %swap3A_284 = vector.shape_cast %reduce_min3A_279 : vector<1024xi32> to vector<1x1024xi32>
    tpu.vector_store %arg2[%swap3A_280, %swap3A_281], %swap3A_284 {strides = array<i32>} : memref<16x1024xi32, #tpu.memory_space<vmem>>, vector<1x1024xi32>,
    %get3A_285 = arith.constant 14 : index
    %get3A_286 = arith.constant 0 : index
    %get3A_287 = arith.constant 0 : index
    %get3A_288 = vector.load %arg1[%get3A_285, %get3A_286, %get3A_287] : memref<16x96x1024xf32, #tpu.memory_space<vmem>>, vector<1x96x1024xf32>
    %get3A_289 = vector.shape_cast %get3A_288 : vector<1x96x1024xf32> to vector<96x1024xf32>
    %reduce_max3A_290 = arith.constant dense<0xFF800000> : vector<1024xf32>
    %reduce_max3A_291 = vector.multi_reduction <maximumf>, %get3A_289, %reduce_max3A_290 [0] : vector<96x1024xf32> to vector<1024xf32>
    %broadcast_in_dim3A_292 = vector.shape_cast %reduce_max3A_291 : vector<1024xf32> to vector<1x1024xf32>
    %iota3A_293 = tpu.iota {dimensions = array<i32: 0>} : vector<96x1024xi32>
    %eq3A_294 = vector.broadcast %broadcast_in_dim3A_292 : vector<1x1024xf32> to vector<96x1024xf32>
    %eq3A_295 = arith.cmpf oeq, %get3A_289, %eq3A_294 : vector<96x1024xf32>
    %jit3A_296 = arith.constant 96 : i32
    %broadcast_in_dim3A_297 = vector.broadcast %jit3A_296 : i32 to vector<96x1024xi32>
    %select_n3A_298 = arith.select %eq3A_295, %iota3A_293, %broadcast_in_dim3A_297 : vector<96x1024xi1>, vector<96x1024xi32>
    %reduce_min3A_299 = arith.constant dense<2147483647> : vector<1024xi32>
    %reduce_min3A_300 = vector.multi_reduction <minsi>, %select_n3A_298, %reduce_min3A_299 [0] : vector<96x1024xi32> to vector<1024xi32>
    %swap3A_301 = arith.constant 14 : index
    %swap3A_302 = arith.constant 0 : index
    %swap3A_303 = vector.load %arg2[%swap3A_301, %swap3A_302] : memref<16x1024xi32, #tpu.memory_space<vmem>>, vector<1x1024xi32>
    %swap3A_304 = vector.shape_cast %swap3A_303 : vector<1x1024xi32> to vector<1024xi32>
    %swap3A_305 = vector.shape_cast %reduce_min3A_300 : vector<1024xi32> to vector<1x1024xi32>
    tpu.vector_store %arg2[%swap3A_301, %swap3A_302], %swap3A_305 {strides = array<i32>} : memref<16x1024xi32, #tpu.memory_space<vmem>>, vector<1x1024xi32>,
    %get3A_306 = arith.constant 15 : index
    %get3A_307 = arith.constant 0 : index
    %get3A_308 = arith.constant 0 : index
    %get3A_309 = vector.load %arg1[%get3A_306, %get3A_307, %get3A_308] : memref<16x96x1024xf32, #tpu.memory_space<vmem>>, vector<1x96x1024xf32>
    %get3A_310 = vector.shape_cast %get3A_309 : vector<1x96x1024xf32> to vector<96x1024xf32>
    %reduce_max3A_311 = arith.constant dense<0xFF800000> : vector<1024xf32>
    %reduce_max3A_312 = vector.multi_reduction <maximumf>, %get3A_310, %reduce_max3A_311 [0] : vector<96x1024xf32> to vector<1024xf32>
    %broadcast_in_dim3A_313 = vector.shape_cast %reduce_max3A_312 : vector<1024xf32> to vector<1x1024xf32>
    %iota3A_314 = tpu.iota {dimensions = array<i32: 0>} : vector<96x1024xi32>
    %eq3A_315 = vector.broadcast %broadcast_in_dim3A_313 : vector<1x1024xf32> to vector<96x1024xf32>
    %eq3A_316 = arith.cmpf oeq, %get3A_310, %eq3A_315 : vector<96x1024xf32>
    %jit3A_317 = arith.constant 96 : i32
    %broadcast_in_dim3A_318 = vector.broadcast %jit3A_317 : i32 to vector<96x1024xi32>
    %select_n3A_319 = arith.select %eq3A_316, %iota3A_314, %broadcast_in_dim3A_318 : vector<96x1024xi1>, vector<96x1024xi32>
    %reduce_min3A_320 = arith.constant dense<2147483647> : vector<1024xi32>
    %reduce_min3A_321 = vector.multi_reduction <minsi>, %select_n3A_319, %reduce_min3A_320 [0] : vector<96x1024xi32> to vector<1024xi32>
    %swap3A_322 = arith.constant 15 : index
    %swap3A_323 = arith.constant 0 : index
    %swap3A_324 = vector.load %arg2[%swap3A_322, %swap3A_323] : memref<16x1024xi32, #tpu.memory_space<vmem>>, vector<1x1024xi32>
    %swap3A_325 = vector.shape_cast %swap3A_324 : vector<1x1024xi32> to vector<1024xi32>
    %swap3A_326 = vector.shape_cast %reduce_min3A_321 : vector<1024xi32> to vector<1x1024xi32>
    tpu.vector_store %arg2[%swap3A_322, %swap3A_323], %swap3A_326 {strides = array<i32>} : memref<16x1024xi32, #tpu.memory_space<vmem>>, vector<1x1024xi32>,
    return
  }
  func.func @transform_0(%arg0: i32) -> (i32, i32, i32) {
    %c0_i32 = arith.constant 0 : i32
    %c0_i32_0 = arith.constant 0 : i32
    %c0_i32_1 = arith.constant 0 : i32
    return %c0_i32, %c0_i32_0, %arg0 : i32, i32, i32
  }
  func.func @transform_1(%arg0: i32) -> (i32, i32) {
    %c0_i32 = arith.constant 0 : i32
    %c0_i32_0 = arith.constant 0 : i32
    return %c0_i32, %arg0 : i32, i32
  }
}

</mosaic_0001>

<sc_bundles>
// kernel: kernel.4.cloned.1.call-start
scs
__scs_entry_jumppad:
0x0: {  	(pc) =	sbr.rel $0x88, $3  }
0x1: {  	(tag) =	ssettag $0x0;
	lr =	simm.s32 $0x1  }
0x2: {  	[smem:$0x3FA0] =	sst lr;
	_ =	strace $0xD0000000  }
0x3: {  	_ = 	snop  }
0x4: {  	_ = 	snop  }
0x5: {  	_ = 	snop  }
0x6: {  	_ = 	snop  }
0x7: {  	_ = 	snop  }
__scs_overlays_trampoline_lowered:
0x8: {  	[smem:$0x3FAF] =	sst s0  }
0x9: {  	[smem:$0x3FB0] =	sst s1  }
0xa: {  	[smem:$0x3FB1] =	sst s2  }
0xb: {  	[smem:$0x3FB2] =	sst s3  }
0xc: {  	[smem:$0x3FB3] =	sst s4  }
0xd: {  	[smem:$0x3FB4] =	sst s5  }
0xe: {  	[smem:$0x3FB5] =	sst s6  }
0xf: {  	[smem:$0x3FB6] =	sst s7  }
0x10: {  	[smem:$0x3FB7] =	sst s8  }
0x11: {  	[smem:$0x3FB8] =	sst s9;
	s0 =	simm.s32 @!p0 $0x0  }
0x12: {  	s1 =	sld [smem:$0x3F9E];
	s0 =	simm.s32 @p0 $0x1  }
0x13: {  	[smem:$0x3FB9] =	sst s0;
	s0 =	simm.s32 @!p1 $0x0  }
0x14: {  	s2 =	sld [smem:$0x3F9D];
	s0 =	simm.s32 @p1 $0x1  }
0x15: {  	[smem:$0x3FBA] =	sst s0;
	s0 =	simm.s32 @!p2 $0x0  }
0x16: {  	s3 =	sld [smem:$0x3FDB];
	s0 =	simm.s32 @p2 $0x1  }
0x17: {  	s4 =	simm.s32 $0x1BF5;
	[smem:$0x3FBC] =	sst s0  }
0x18: {  	s0 =	sld [smem:$0x3F9F];
	_ =	swait.ge [sflag:s4], $0x0  }
0x19: {  	s7 =	sld [smem:$0x3FA0]  }
0x1a: {  	s8 =	sadd.s32 $0xFFFFE003, lr  }
0x1b: {  	s9 =	sadd.s32 $0xFFFFFEF7, lr;
	s5 =	simm.s32 $0xFFFFFFFF;
	p2 =	slt.u32 s8, $0xFFFFF086  }
0x1c: {  	p1 =	slt.u32 s9, $0xF7A;
	s5 =	simm.s32 @!p2 $0x0  }
0x1d: {  	s5 =	simm.s32 @p1 $0x1;
	p0 =	seq.s32 s7, s2  }
0x1e: {  	s7 =	smul.u32 @!p0 $0xF7A, s2;
	p2 =	seq.s32 @!p0 s5, $0x0  }
0x1f: {  	s9 =	smul.u32 $0xF7A, s1;
	s8 =	simm.s32 @!p0 $0x1BF5;
	p2 =	por !p2, p0  }
0x20: {  	[sflag:s8] =	ssyncset.s32 @!p0 $0xFFFFF086;
	s6 =	sadd.s32 @!p0 s3, s7;
	s7 =	simm.s32 @!p0 $0x108  }
0x21: {  	s3 =	sadd.s32 s3, s9;
	s6 =	sadd.s32 @!p0 $0x88, s6;
	s7 =	simm.s32 @p2 $0x1082  }
0x22: {  	[simem:s7], [sflag:s8] =	dma.local @!p0 [hbm:s6], $0xF7A  }
0x23: {  	s9 =	sor.u32 $0xD0000000, s2;
	s6 =	simm.s32 $0x108;
	_ =	swait.ge @!p0 [sflag:s8], $0x0  }
0x24: {  	s3 =	sadd.s32 $0x88, s3;
	s6 =	simm.s32 @!p1 $0x1082;
	[sflag:s4] =	ssyncset.s32 $0xFFFFF086  }
0x25: {  	[simem:s6], [sflag:s4] =	dma.local [hbm:s3], $0xF7A  }
0x26: {  	[smem:$0x3FA0] =	sst s1;
	(tag) =	ssettag s2;
	_ =	strace s9  }
0x27: {  	s1 =	sld [smem:$0x3FB0]  }
0x28: {  	s2 =	sld [smem:$0x3FB1]  }
0x29: {  	s4 =	sld [smem:$0x3FB3]  }
0x2a: {  	p0 =	seq.s32 s5, $0x0;
	s5 =	sld [smem:$0x3FB4]  }
0x2b: {  	s6 =	sld [smem:$0x3FB5]  }
0x2c: {  	s7 =	sld [smem:$0x3FB6]  }
0x2d: {  	s3 =	simm.s32 $0x108;
	s8 =	sld [smem:$0x3FB7]  }
0x2e: {  	s3 =	simm.s32 @!p0 $0x1082;
	s9 =	sld [smem:$0x3FB8]  }
0x2f: {  	lr =	sadd.s32 s0, s3;
	s0 =	sld [smem:$0x3FAF]  }
0x30: {  	s3 =	sld [smem:$0x3FB2]  }
0x31: {  	[smem:$0x3FBB] =	sst s10  }
0x32: {  	s10 =	sld [smem:$0x3FB9];
	_ =	sdelay $0x3  }
0x33: {  	p0 =	seq.s32 s10, $0x1;
	s10 =	sld [smem:$0x3FBB];
	_ =	sdelay $0x3  }
0x34: {  	[smem:$0x3FBB] =	sst s10  }
0x35: {  	s10 =	sld [smem:$0x3FBA];
	_ =	sdelay $0x3  }
0x36: {  	p1 =	seq.s32 s10, $0x1;
	s10 =	sld [smem:$0x3FBB];
	_ =	sdelay $0x3  }
0x37: {  	[smem:$0x3FBB] =	sst s10  }
0x38: {  	s10 =	sld [smem:$0x3FBC]  }
0x39: {  	_ = 	snop;
	(pc) =	sbr.ind lr, $3  }
0x3a: {  	_ = 	snop  }
0x3b: {  	_ = 	snop  }
0x3c: {  	p2 =	seq.s32 s10, $0x1;
	s10 =	sld [smem:$0x3FBB]  }
0x3d: {  	_ =	shalt  }
0x3e: {  	_ =	shalt  }
0x3f: {  	_ =	shalt  }
0x40: {  	_ =	shalt  }
0x41: {  	_ =	shalt  }
0x42: {  	_ =	shalt  }
0x43: {  	_ =	shalt  }
0x44: {  	_ =	shalt  }
0x45: {  	_ =	shalt  }
0x46: {  	_ =	shalt  }
0x47: {  	_ =	shalt  }
0x48: {  	_ =	shalt  }
0x49: {  	_ =	shalt  }
0x4a: {  	_ =	shalt  }
0x4b: {  	_ =	shalt  }
0x4c: {  	_ =	shalt  }
0x4d: {  	_ =	shalt  }
0x4e: {  	_ =	shalt  }
0x4f: {  	_ =	shalt  }
0x50: {  	_ =	shalt  }
0x51: {  	_ =	shalt  }
0x52: {  	_ =	shalt  }
0x53: {  	_ =	shalt  }
0x54: {  	_ =	shalt  }
0x55: {  	_ =	shalt  }
0x56: {  	_ =	shalt  }
0x57: {  	_ =	shalt  }
0x58: {  	_ =	shalt  }
0x59: {  	_ =	shalt  }
0x5a: {  	_ =	shalt  }
0x5b: {  	_ =	shalt  }
0x5c: {  	_ =	shalt  }
0x5d: {  	_ =	shalt  }
0x5e: {  	_ =	shalt  }
0x5f: {  	_ =	shalt  }
0x60: {  	_ =	shalt  }
0x61: {  	_ =	shalt  }
0x62: {  	_ =	shalt  }
0x63: {  	_ =	shalt  }
0x64: {  	_ =	shalt  }
0x65: {  	_ =	shalt  }
0x66: {  	_ =	shalt  }
0x67: {  	_ =	shalt  }
0x68: {  	_ =	shalt  }
0x69: {  	_ =	shalt  }
0x6a: {  	_ =	shalt  }
0x6b: {  	_ =	shalt  }
0x6c: {  	_ =	shalt  }
0x6d: {  	_ =	shalt  }
0x6e: {  	_ =	shalt  }
0x6f: {  	_ =	shalt  }
0x70: {  	_ =	shalt  }
0x71: {  	_ =	shalt  }
0x72: {  	_ =	shalt  }
0x73: {  	_ =	shalt  }
0x74: {  	_ =	shalt  }
0x75: {  	_ =	shalt  }
0x76: {  	_ =	shalt  }
0x77: {  	_ =	shalt  }
0x78: {  	_ =	shalt  }
0x79: {  	_ =	shalt  }
0x7a: {  	_ =	shalt  }
0x7b: {  	_ =	shalt  }
0x7c: {  	_ =	shalt  }
0x7d: {  	_ =	shalt  }
0x7e: {  	_ =	shalt  }
0x7f: {  	_ =	shalt  }
0x80: {  	_ =	shalt  }
0x81: {  	_ =	shalt  }
0x82: {  	_ =	shalt  }
0x83: {  	_ =	shalt  }
0x84: {  	_ =	shalt  }
0x85: {  	_ =	shalt  }
0x86: {  	_ =	shalt  }
0x87: {  	_ =	shalt  }
.Lfunc_end0:
.L_simem_size_0:
called_computation_lowered:
.L_overlay_start_0:
0x88: {  	s0 =	sld [smem:$0x3FD9]  }
0x89: {  	s1 =	sld [smem:$0x3FFE];
	_ =	sdelay $0x3  }
0x8a: {  	s0 =	sadd.s32 s1, s0  }
0x8b: {  	[smem:$0x3FC7] =	sst s0  }
0x8c: {  	_ = 	snop  }
0x8d: {  	s0 =	sld [smem:$0x3FD0];
	(tm) =	ssettm $0x1  }
0x8e: {  	s16 =	sld [smem:$0x3FFB];
	_ =	sdelay $0x3  }
0x8f: {  	_ =	strace s16  }
0x90: {  	s1 =	sld [smem:$0x3FFC];
	_ =	sdelay $0x3  }
0x91: {  	_ =	strace s1  }
0x92: {  	s1 =	sld [smem:$0x3FFD];
	_ =	sdelay $0x3  }
0x93: {  	_ =	strace s1  }
0x94: {  	_ =	strace $0x8FFFFFFF  }
0x95: {  	s17 =	sld [smem:$0x3FDB];
	_ =	sdelay $0x1  }
0x96: {  	s2 =	simm.s32 $_scs_section_size  }
0x97: {  	s3 =	simm.s32 $_size__tile_overlayer_lowered;
	s4 =	simm.s32 $_tile_overlayer_lowered  }
0x98: {  	s20 =	simm.s32 $0x1BFF;
	s19 =	sshll.u32 s4, $0x1;
	s1 =	sadd.s32 s2, s17  }
0x99: {  	s5 =	simm.s32 $0x0;
	s18 =	sshll.u32 s3, $0x1;
	s3 =	sadd.s32 s19, s1  }
0x9a: {  	[timem:s5], [sflag:s20] =	dma.local [hbm:s3], s18  }
0x9b: {  	_ =	swait.ge [sflag:s20], s18  }
0x9c: {  	s2 =	ssub.s32 $0x0, s18;
	[sflag:s20] =	ssyncset.done $0x0  }
0x9d: {  	[sflag:s20] =	ssyncadd.s32 s2;
	_ =	sdelay $0x1  }
0x9e: {  	s21 =	simm.s32 $0x1B8B  }
0x9f: {  	_ =	swait.ge [sflag:s21], $0x1  }
0xa0: {  	[sflag:s21] =	ssyncset.done $0x0  }
0xa1: {  	s23 =	simm.s32 $0x1B8E;
	s22 =	sld [smem:$0x3FFE];
	[sflag:s21] =	ssyncadd.s32 $0xFFFFFFFF  }
0xa2: {  	s24 =	simm.s32 $execute0_lowered;
	[smem:$0x3FD2] =	sst s23  }
0xa3: {  	s3 =	sshll.u32 s24, $0x1;
	_ =	strace $0x80000046;
	[dreg:$0x1] =	wrdreg $0xFFFFFFFF  }
0xa4: {  	s25 =	simm.s32 $_size_execute0_lowered;
	s1 =	sadd.s32 s1, s3;
	[dreg:$0x0] =	wrdreg $0x0  }
0xa5: {  	s3 =	sshll.u32 s25, $0x1;
	[dreg:$0x2] =	wrdreg s1  }
0xa6: {  	[dreg:$0x3] =	wrdreg s3  }
0xa7: {  	[dreg:$0x4] =	wrdreg $0xC0  }
0xa8: {  	_ =	task [dreg:s5], $0x5FFFF  }
0xa9: {  	[dreg:$0x1] =	wrdreg $0xFFFFFFFF  }
0xaa: {  	[dreg:$0x0] =	wrdreg $0x60  }
0xab: {  	[dreg:$0x2] =	wrdreg s22  }
0xac: {  	[dreg:$0x3] =	wrdreg s0  }
0xad: {  	[dreg:$0x4] =	wrdreg $0x9  }
0xae: {  	_ =	task.clear_ibuf [dreg:s5], $0x5FFFF;
	_ =	strace $0x90000046  }
0xaf: {  	s26 =	simm.s32 $0x9;
	_ =	strace $0x80000048  }
0xb0: {  	_ =	swait.ge [sflag:s26], $0x1  }
0xb1: {  	[sflag:s26] =	ssyncadd.s32 $0xFFFFFFFF  }
0xb2: {  	_ =	strace $0x90000048  }
0xb3: {  	_ =	sfence  }
0xb4: {  	s28 =	sld [smem:$0x0];
	_ =	sdelay $0x1  }
0xb5: {  	s29 =	srdreg.scid  }
0xb6: {  	s30 =	sshll.u32 s29, $0xD;
	s31 =	sshrl.u32 s29, $0x2  }
0xb7: {  	s2 =	sand.u32 $0x4000, s30;
	s1 =	sand.u32 $0x1, s29;
	s0 =	sadd.s32 s31, s28  }
0xb8: {  	s1 =	sor.u32 s2, s1;
	s0 =	sshll.u32 s0, $0x11  }
0xb9: {  	s0 =	sor.u32 s0, s1  }
0xba: {  	s0 =	sadd.s32 $0x8F2B, s0  }
0xbb: {  	[sflag:s0] =	ssyncadd.remote.s32 $0x1  }
0xbc: {  	_ =	sfence.sel $0xFFFF  }
0xbd: {  	[dreg:$0x0] =	wrdreg $0xFFFFFFFF;
	(pc) =	sbr.abs _section_cstart, $3  }
0xbe: {  	[dreg:$0x1] =	wrdreg $0xFFFFFFFF  }
0xbf: {  	_ =	task.clear_ibuf [dreg:s5], $0x2FFFF;
	_ =	strace $0x9FFFFFFF  }
0xc0: {  	(tm) =	ssettm $0x7FFFFFFF  }
0xc1: {  	_ =	shalt  }
tec
execute0_lowered:
.L_overlay_start_1:
0x0: {  	(tag) =	ssettag $0x1  }
0x1: {  	s5 =	rddreg [dreg:$0x0];
	s0 =	stileid.u32  }
0x2: {  	s2 =	rddreg [dreg:$0x1];
	s3 =	sshll.u32 s0, $0x8;
	s6 =	sshll.u32 s0, $0x4  }
0x3: {  	s1 =	rddreg [dreg:$0x2];
	s3 =	sor.u32 s6, s3  }
0x4: {  	s4 =	simm.s32 $0x0;
	s30 =	simm.s32 $0x80;
	s3 =	sand.u32 $0x870, s3  }
0x5: {  	s7 =	simm.s32 $0x400;
	[smem:$0x7FF] =	sst s4;
	s5 =	sadd.s32 s3, s5  }
0x6: {  	s31 =	simm.s32 $0x1;
	_ =	strace $0x80000047;
	s5 =	sadd.s32 $0x800, s5  }
0x7: {  	[tilespmem:s4], [sflag:$0x1] =	stream.strided.gather [hbm4b:s5+s30], $0x800, s7, s30, $0x38;
	[tilespmem:$0x1000] =	vst v63  }
0x8: {  	_ =	swait.ge [sflag:s31], $0x800  }
0x9: {  	v0 =	vlaneseq.u32;
	s8 =	simm.s32 $0x800;
	s6 =	simm.s32 $0x70;
	[sflag:s31] =	ssyncset.done $0x0  }
0xa: {  	v3 =	vimm.s32 $0xFFFFFFFF;
	v2 =	vimm.s32 $0x0;
	v1 =	vadd.s32 $0xFFFFFFFF, v0;
	s5 =	simm.s32 $0xFFFFFFF8;
	s7 =	simm.s32 $0x40;
	[sflag:s31] =	ssyncadd.s32 $0xFFFFF800  }
.LBB2_1:
0xb: {  	s9 =	sadd.s32 $0xFFFFFF90, s6  }
0xc: {  	v4 =	vadd.s32 s9, v1  }
0xd: {  	vm0 =	vgt.s32 v4, $0x0  }
0xe: {  	v4 =	vnsel vm0, $0x0, v4;
	_ =	sdelay $0x3  }
0xf: {  	v5 =	vld [tilespmem:s7+$0xFFFFFFC0]  }
0x10: {  	v4 =	vld.idx.msk [tilespmem:v4+s4+$0x0], $0xffff;
	_ =	sdelay $0x3  }
0x11: {  	v6 =	vmov s9  }
0x12: {  	vm1 =	veq.s32 v6, v0;
	vm10 =	vne.s32 v5, v4  }
0x13: {  	vm11 =	vne.s32 v5, $0x5F;
	vm0 =	vmor vm1, vm10  }
0x14: {  	vm0 =	vmand vm11, vm0  }
0x15: {  	v4 =	vsel vm0, $0x1, v2  }
0x16: {  	(xrf0) =	vadd.scan.msk.s32 $0xffff, v4;
	_ =	sdelay $0x5  }
0x17: {  	v4, _, _ =	vpop (xrf0)  }
0x18: {  	v4 =	vadd.s32 v3, v4  }
0x19: {  	s25 =	sadd.s32 $0xFFFFFFA0, s6;
	vm12 =	vgt.s32 v4, $0x0  }
0x1a: {  	v56 =	vadd.s32 s25, v1;
	v4 =	vnsel vm12, $0x0, v4  }
0x1b: {  	vm13 =	vgt.s32 v56, $0x0  }
0x1c: {  	v6 =	vnsel vm13, $0x0, v56;
	_ =	sdelay $0x2  }
0x1d: {  	[tilespmem:v4+s8+$0x0] =	vst.idx.msk vm0, v5  }
0x1e: {  	v4 =	vld [tilespmem:s7+$0xFFFFFFD0]  }
0x1f: {  	v5 =	vld.idx.msk [tilespmem:v6+s4+$0x0], $0xffff;
	_ =	sdelay $0x4  }
0x20: {  	vm14 =	vne.s32 v4, v5;
	vm2 =	vne.s32 v4, $0x5F  }
0x21: {  	vm1 =	vmand vm2, vm14  }
0x22: {  	v5 =	vsel vm1, $0x1, v2  }
0x23: {  	(xrf0) =	vadd.scan.msk.s32 $0xffff, v5;
	_ =	sdelay $0x1  }
0x24: {  	v5 =	vmpcnt.ones.xlane vm0;
	_ =	sdelay $0x3  }
0x25: {  	v3 =	vadd.s32 v3, v5;
	v5, _, _ =	vpop (xrf0)  }
0x26: {  	v5 =	vadd.s32 v3, v5  }
0x27: {  	s26 =	sadd.s32 $0xFFFFFFB0, s6;
	vm15 =	vgt.s32 v5, $0x0  }
0x28: {  	v57 =	vadd.s32 s26, v1;
	v5 =	vnsel vm15, $0x0, v5  }
0x29: {  	vm4 =	vgt.s32 v57, $0x0  }
0x2a: {  	v6 =	vnsel vm4, $0x0, v57;
	_ =	sdelay $0x2  }
0x2b: {  	[tilespmem:v5+s8+$0x0] =	vst.idx.msk vm1, v4  }
0x2c: {  	v4 =	vld [tilespmem:s7+$0xFFFFFFE0]  }
0x2d: {  	v5 =	vld.idx.msk [tilespmem:v6+s4+$0x0], $0xffff;
	_ =	sdelay $0x4  }
0x2e: {  	vm5 =	vne.s32 v4, v5;
	vm6 =	vne.s32 v4, $0x5F  }
0x2f: {  	vm0 =	vmand vm6, vm5  }
0x30: {  	v5 =	vsel vm0, $0x1, v2  }
0x31: {  	(xrf0) =	vadd.scan.msk.s32 $0xffff, v5;
	_ =	sdelay $0x1  }
0x32: {  	v5 =	vmpcnt.ones.xlane vm1;
	_ =	sdelay $0x3  }
0x33: {  	v3 =	vadd.s32 v3, v5;
	v5, _, _ =	vpop (xrf0)  }
0x34: {  	v5 =	vadd.s32 v3, v5  }
0x35: {  	s28 =	sadd.s32 $0xFFFFFFC0, s6;
	vm7 =	vgt.s32 v5, $0x0  }
0x36: {  	v58 =	vadd.s32 s28, v1;
	v5 =	vnsel vm7, $0x0, v5  }
0x37: {  	vm8 =	vgt.s32 v58, $0x0  }
0x38: {  	v6 =	vnsel vm8, $0x0, v58;
	_ =	sdelay $0x2  }
0x39: {  	[tilespmem:v5+s8+$0x0] =	vst.idx.msk vm0, v4  }
0x3a: {  	v4 =	vld [tilespmem:s7+$0xFFFFFFF0]  }
0x3b: {  	v5 =	vld.idx.msk [tilespmem:v6+s4+$0x0], $0xffff;
	_ =	sdelay $0x4  }
0x3c: {  	vm9 =	vne.s32 v4, v5;
	vm10 =	vne.s32 v4, $0x5F  }
0x3d: {  	vm1 =	vmand vm10, vm9  }
0x3e: {  	v5 =	vsel vm1, $0x1, v2  }
0x3f: {  	(xrf0) =	vadd.scan.msk.s32 $0xffff, v5;
	_ =	sdelay $0x1  }
0x40: {  	v5 =	vmpcnt.ones.xlane vm0;
	_ =	sdelay $0x3  }
0x41: {  	v3 =	vadd.s32 v3, v5;
	v5, _, _ =	vpop (xrf0)  }
0x42: {  	v5 =	vadd.s32 v3, v5  }
0x43: {  	s29 =	sadd.s32 $0xFFFFFFD0, s6;
	vm11 =	vgt.s32 v5, $0x0  }
0x44: {  	v59 =	vadd.s32 s29, v1;
	v5 =	vnsel vm11, $0x0, v5  }
0x45: {  	vm12 =	vgt.s32 v59, $0x0  }
0x46: {  	v6 =	vnsel vm12, $0x0, v59;
	_ =	sdelay $0x2  }
0x47: {  	[tilespmem:v5+s8+$0x0] =	vst.idx.msk vm1, v4  }
0x48: {  	v4 =	vld [tilespmem:s7+$0x0]  }
0x49: {  	v5 =	vld.idx.msk [tilespmem:v6+s4+$0x0], $0xffff;
	_ =	sdelay $0x4  }
0x4a: {  	vm13 =	vne.s32 v4, v5;
	vm14 =	vne.s32 v4, $0x5F  }
0x4b: {  	vm0 =	vmand vm14, vm13  }
0x4c: {  	v5 =	vsel vm0, $0x1, v2  }
0x4d: {  	(xrf0) =	vadd.scan.msk.s32 $0xffff, v5;
	_ =	sdelay $0x1  }
0x4e: {  	v5 =	vmpcnt.ones.xlane vm1;
	_ =	sdelay $0x3  }
0x4f: {  	v3 =	vadd.s32 v3, v5;
	v5, _, _ =	vpop (xrf0)  }
0x50: {  	v5 =	vadd.s32 v3, v5  }
0x51: {  	s30 =	sadd.s32 $0xFFFFFFE0, s6;
	vm15 =	vgt.s32 v5, $0x0  }
0x52: {  	v60 =	vadd.s32 s30, v1;
	v5 =	vnsel vm15, $0x0, v5  }
0x53: {  	vm4 =	vgt.s32 v60, $0x0  }
0x54: {  	v6 =	vnsel vm4, $0x0, v60;
	_ =	sdelay $0x2  }
0x55: {  	[tilespmem:v5+s8+$0x0] =	vst.idx.msk vm0, v4  }
0x56: {  	v4 =	vld [tilespmem:s7+$0x10]  }
0x57: {  	v5 =	vld.idx.msk [tilespmem:v6+s4+$0x0], $0xffff;
	_ =	sdelay $0x4  }
0x58: {  	vm5 =	vne.s32 v4, v5;
	vm6 =	vne.s32 v4, $0x5F  }
0x59: {  	vm1 =	vmand vm6, vm5  }
0x5a: {  	v5 =	vsel vm1, $0x1, v2  }
0x5b: {  	(xrf0) =	vadd.scan.msk.s32 $0xffff, v5;
	_ =	sdelay $0x1  }
0x5c: {  	v5 =	vmpcnt.ones.xlane vm0;
	_ =	sdelay $0x3  }
0x5d: {  	v3 =	vadd.s32 v3, v5;
	v5, _, _ =	vpop (xrf0)  }
0x5e: {  	v5 =	vadd.s32 v3, v5  }
0x5f: {  	s31 =	sadd.s32 $0xFFFFFFF0, s6;
	vm7 =	vgt.s32 v5, $0x0  }
0x60: {  	v61 =	vadd.s32 s31, v1;
	v5 =	vnsel vm7, $0x0, v5  }
0x61: {  	vm8 =	vgt.s32 v61, $0x0  }
0x62: {  	v6 =	vnsel vm8, $0x0, v61;
	_ =	sdelay $0x2  }
0x63: {  	[tilespmem:v5+s8+$0x0] =	vst.idx.msk vm1, v4  }
0x64: {  	v4 =	vld [tilespmem:s7+$0x20]  }
0x65: {  	v5 =	vld.idx.msk [tilespmem:v6+s4+$0x0], $0xffff;
	_ =	sdelay $0x4  }
0x66: {  	vm9 =	vne.s32 v4, v5;
	vm10 =	vne.s32 v4, $0x5F  }
0x67: {  	vm0 =	vmand vm10, vm9  }
0x68: {  	v5 =	vsel vm0, $0x1, v2  }
0x69: {  	(xrf0) =	vadd.scan.msk.s32 $0xffff, v5;
	_ =	sdelay $0x1  }
0x6a: {  	v5 =	vmpcnt.ones.xlane vm1;
	_ =	sdelay $0x3  }
0x6b: {  	v3 =	vadd.s32 v3, v5;
	v5, _, _ =	vpop (xrf0)  }
0x6c: {  	v5 =	vadd.s32 v3, v5  }
0x6d: {  	vm11 =	vgt.s32 v5, $0x0  }
0x6e: {  	v62 =	vadd.s32 s6, v1;
	v5 =	vnsel vm11, $0x0, v5  }
0x6f: {  	vm12 =	vgt.s32 v62, $0x0  }
0x70: {  	v6 =	vnsel vm12, $0x0, v62;
	_ =	sdelay $0x2  }
0x71: {  	[tilespmem:v5+s8+$0x0] =	vst.idx.msk vm0, v4  }
0x72: {  	v4 =	vld [tilespmem:s7+$0x30]  }
0x73: {  	v5 =	vld.idx.msk [tilespmem:v6+s4+$0x0], $0xffff;
	_ =	sdelay $0x4  }
0x74: {  	vm13 =	vne.s32 v4, v5;
	vm14 =	vne.s32 v4, $0x5F  }
0x75: {  	vm1 =	vmand vm14, vm13  }
0x76: {  	v5 =	vsel vm1, $0x1, v2  }
0x77: {  	(xrf0) =	vadd.scan.msk.s32 $0xffff, v5;
	_ =	sdelay $0x1  }
0x78: {  	v5 =	vmpcnt.ones.xlane vm0;
	_ =	sdelay $0x3  }
0x79: {  	v3 =	vadd.s32 v3, v5;
	v5, _, _ =	vpop (xrf0)  }
0x7a: {  	v5 =	vadd.s32 v3, v5  }
0x7b: {  	s5 =	sadd.s32 $0x8, s5;
	vm15 =	vgt.s32 v5, $0x0  }
0x7c: {  	p0 =	slt.u32 s5, $0x78;
	v5 =	vnsel vm15, $0x0, v5  }
.Ltmp0:
0x7d: {  	_ = 	snop;
	(pc) =	sbr.rel @p0 .LBB2_1-.Ltmp0, $3  }
0x7e: {  	_ = 	snop  }
0x7f: {  	v63 =	vmpcnt.ones.xlane vm1;
	_ =	sdelay $0x1  }
0x80: {  	s6 =	sadd.s32 $0x80, s6;
	s7 =	sadd.s32 $0x80, s7;
	v3 =	vadd.s32 v3, v63;
	[tilespmem:v5+s8+$0x0] =	vst.idx.msk vm1, v4  }
0x81: {  	(v2sf) =	vpush v3, $0x0;
	_ =	sdelay $0xe  }
0x82: {  	s4 =	spop (v2sf)  }
0x83: {  	s5 =	sadd.s32 $0x1, s4;
	p0 =	slt.u32 s4, $0x7FFFFFFF;
	s4 =	simm.s32 $0x1  }
0x84: {  	s6 =	sshra.s32 s5, $0x1F;
	s4 =	simm.s32 @!p0 $0x0  }
0x85: {  	s7 =	sand.u32 $0xF, s5;
	s4 =	sadd.s32 s4, s6  }
0x86: {  	p1 =	sne.s32 s7, $0x0;
	p6 =	sne.s32 s4, $0x1  }
0x87: {  	s31 =	sshrl.u32 s6, $0x1C;
	p0 =	por !p1, !p6  }
0x88: {  	s4 =	sadd.s32 s31, s5;
	s5 =	simm.s32 $0x1;
	p0 =	por !p0, !p0  }
0x89: {  	s4 =	sshra.s32 s4, $0x4;
	s5 =	simm.s32 @!p0 $0x0  }
0x8a: {  	s4 =	ssub.s32 s4, s5  }
0x8b: {  	p0 =	sgt.s32 s4, $0x7F  }
.Ltmp1:
0x8c: {  	_ = 	snop;
	(pc) =	sbr.rel @p0 .LBB2_6-.Ltmp1, $2  }
0x8d: {  	_ =	sdelay $0x2  }
0x8e: {  	s3 =	sadd.s32 s2, s3;
	s2 =	simm.s32 $0x1  }
0x8f: {  	s5 =	ssub.s32 $0x80, s4;
	s6 =	sshll.u32 s4, $0x4;
	v0 =	vlaneseq.u32  }
0x90: {  	v1 =	vadd.s32 $0x1, v3;
	v2 =	vor.u32 s6, v0;
	p0 =	sne.s32 s5, $0x1  }
.Ltmp2:
0x91: {  	vm0 =	vge.s32 v2, v1;
	(pc) =	sbr.rel @!p0 .LBB2_5-.Ltmp2, $2  }
0x92: {  	_ =	sdelay $0x2  }
0x93: {  	v3 =	vimm.s32 $0x5F;
	s4 =	simm.s32 $0x800;
	s5 =	sadd.s32 $0xFFFFFFFF, s5;
	s6 =	sadd.s32 $0x10, s6  }
.LBB2_4:
0x94: {  	v4 =	vor.u32 s6, v0;
	p0 =	sne.s32 s5, $0x1;
	s5 =	sadd.s32 $0xFFFFFFFF, s5  }
.Ltmp3:
0x95: {  	[tilespmem:v2+s4+$0x0] =	vst.idx.msk vm0, v3;
	vm0 =	vge.s32 v4, v1;
	v2 =	vmov v4;
	(pc) =	sbr.rel @p0 .LBB2_4-.Ltmp3, $2  }
0x96: {  	_ =	sdelay $0x2  }
0x97: {  	s6 =	sadd.s32 $0x10, s6  }
.LBB2_5:
0x98: {  	_ =	sdelay $0x4  }
0x99: {  	[tilespmem:v2+s4+$0x0] =	vst.idx.msk vm0, v3  }
.LBB2_6:
0x9a: {  	s4 =	simm.s32 $0x80;
	s5 =	simm.s32 $0x400;
	s6 =	simm.s32 $0x800  }
0x9b: {  	[hbm4b:s3+s4] =	stream.strided.scatter [tilespmem:s6], [sflag:$0x1], $0x800, s5, s4, $0x38;
	[tilespmem:$0x1000] =	vst v63  }
0x9c: {  	_ =	swait.ge [sflag:s2], $0x800  }
0x9d: {  	[sflag:s2] =	ssyncset.done $0x0  }
0x9e: {  	[sflag:s2] =	ssyncadd.s32 $0xFFFFF800  }
0x9f: {  	_ =	sfence.sel $0x180000  }
0xa0: {  	[bflag:$0x0] =	sbarrier.arrive $0xFFFF  }
0xa1: {  	p0 =	sne.s32 s0, $0x0;
	_ =	strace $0x90000047  }
0xa2: {  	s0 =	sadd.s32 @!p0 $0x100000, s1;
	[bflag:$0x2] =	sbarrier.arrive $0xFFFF  }
0xa3: {  	[sflag:s0] =	ssyncadd.tile.s32 @!p0 $0x1;
	_ =	shalt  }
.Lfunc_end2:
_tile_overlayer_lowered:
.L_overlay_start_2:
0xa4: {  	(tag) =	ssettag $0x2  }
0xa5: {  	s0 =	rddreg [dreg:$0x0];
	s2 =	stileid.u32  }
0xa6: {  	s1 =	rddreg [dreg:$0x1];
	p0 =	sne.s32 s2, $0x0  }
0xa7: {  	s3 =	rddreg [dreg:$0x2];
	[bflag:$0x3] =	sbarrier.arrive $0xFFFF;
	s2 =	simm.s32 @!p0 $0x1C01  }
0xa8: {  	[timem:s3], [sflag:s2] =	dma.local @!p0 [hbm:s0], s1  }
0xa9: {  	s0 =	simm.s32 @!p0 $0x1  }
0xaa: {  	_ =	swait.ge @!p0 [sflag:s0], s1  }
0xab: {  	s1 =	ssub.s32 @!p0 $0x0, s1;
	[sflag:s0] =	ssyncset.done @!p0 $0x0  }
0xac: {  	[sflag:s0] =	ssyncadd.s32 @!p0 s1  }
0xad: {  	[bflag:$0x3] =	sbarrier.arrive $0xFFFF  }
0xae: {  	_ =	shalt  }

</sc_bundles>
